<compile_context>
chip_gen: v7x
topology: tpu7x:2x2x1
jax: 0.10.2.dev20260603
libtpu: 0.0.44.dev20260713+nightly
codegen_flags: <defaults>
</compile_context>

<pallas_src>
import functools

import jax
import jax.numpy as jnp
from jax import lax
from jax.experimental import pallas as pl
from jax.experimental.pallas import tpu as pltpu
from jax.experimental.pallas import tpu_sc as plsc

_NC = 2
_NS = 16
_NW = _NC * _NS
_L = 16
_C = 128


@functools.lru_cache(maxsize=None)
def _build_tc_transpose(B, S, D):
    nq = S // 2

    def body(x_ref, o_ref):
        x = x_ref[...]
        o_ref[...] = x.reshape(2 * D, B).T

    return pl.pallas_call(
        body,
        grid=(nq,),
        in_specs=[pl.BlockSpec((2, D, B), lambda q: (q, 0, 0))],
        out_specs=pl.BlockSpec((B, 2 * D), lambda q: (q, 0)),
        out_shape=jax.ShapeDtypeStruct((nq * B, 2 * D), jnp.float32),
        cost_estimate=pl.CostEstimate(
            flops=0, bytes_accessed=8 * S * D * B, transcendentals=0),
    )


@functools.lru_cache(maxsize=None)
def _build_sc_mse(B, S, D):
    nq = S // 2
    n_pairs = nq // 2
    mesh = plsc.VectorSubcoreMesh(core_axis_name="c", subcore_axis_name="s")

    @functools.partial(
        pl.kernel,
        mesh=mesh,
        compiler_params=pltpu.CompilerParams(use_tc_tiling_on_sc=False),
        out_type=jax.ShapeDtypeStruct((_NW, _L), jnp.float32),
        scratch_types=[
            pltpu.VMEM((S, _C), jnp.int32),
            pltpu.VMEM((_C, 2 * D), jnp.float32),
            pltpu.VMEM((_C, 2 * D), jnp.float32),
            pltpu.VMEM((_C, D), jnp.float32),
            pltpu.VMEM((_C, D), jnp.float32),
            pltpu.VMEM((_C, D), jnp.float32),
            pltpu.VMEM((_C, D), jnp.float32),
            pltpu.VMEM((_L,), jnp.float32),
            pltpu.SemaphoreType.DMA,
            pltpu.SemaphoreType.DMA,
            pltpu.SemaphoreType.DMA,
            pltpu.SemaphoreType.DMA,
            pltpu.SemaphoreType.DMA,
            pltpu.SemaphoreType.DMA,
        ],
    )
    def k(pp_hbm, tgtT_hbm, table_hbm, out_hbm,
          idx_all, p_a, p_b, ea_a, ea_b, eb_a, eb_b, acc_st,
          sp_a, sp_b, sa_a, sa_b, sb_a, sb_b):
        wid = lax.axis_index("s") * _NC + lax.axis_index("c")
        p_bufs = (p_a, p_b)
        ea_bufs = (ea_a, ea_b)
        eb_bufs = (eb_a, eb_b)
        sp = (sp_a, sp_b)
        sa = (sa_a, sa_b)
        sb = (sb_a, sb_b)

        b0 = wid * _C
        pltpu.sync_copy(tgtT_hbm.at[:, pl.ds(b0, _C)], idx_all)

        def issue(q, b):
            pltpu.async_copy(
                pp_hbm.at[pl.ds(q * B + b0, _C)], p_bufs[b], sp[b])
            pltpu.async_copy(
                table_hbm.at[idx_all.at[2 * q]], ea_bufs[b], sa[b])
            pltpu.async_copy(
                table_hbm.at[idx_all.at[2 * q + 1]], eb_bufs[b], sb[b])

        def wait(q, b):
            pltpu.make_async_copy(
                pp_hbm.at[pl.ds(q * B + b0, _C)], p_bufs[b], sp[b]).wait()
            pltpu.make_async_copy(
                table_hbm.at[idx_all.at[2 * q]], ea_bufs[b], sa[b]).wait()
            pltpu.make_async_copy(
                table_hbm.at[idx_all.at[2 * q + 1]], eb_bufs[b], sb[b]).wait()

        def chunk_sum(b, accs):
            pv = p_bufs[b]
            ea = ea_bufs[b]
            eb = eb_bufs[b]

            def row_body(r, accs):
                a = list(accs)
                for rr in range(2):
                    i = r * 2 + rr
                    for d in range(D // _L):
                        dpa = (pv[i, pl.ds(d * _L, _L)]
                               - ea[i, pl.ds(d * _L, _L)])
                        a[d] = a[d] + dpa * dpa
                        dpb = (pv[i, pl.ds(D + d * _L, _L)]
                               - eb[i, pl.ds(d * _L, _L)])
                        a[4 + d] = a[4 + d] + dpb * dpb
                return tuple(a)

            return lax.fori_loop(0, _C // 2, row_body, accs)

        issue(0, 0)
        zero = jnp.zeros((_L,), jnp.float32)

        def pair_body(g, accs):
            issue(2 * g + 1, 1)
            wait(2 * g, 0)
            accs = chunk_sum(0, accs)

            @pl.when(g < n_pairs - 1)
            def _():
                issue(2 * g + 2, 0)

            wait(2 * g + 1, 1)
            accs = chunk_sum(1, accs)
            return accs

        accs = lax.fori_loop(
            0, n_pairs, pair_body, (zero,) * 8)
        acc_st[...] = (((accs[0] + accs[1]) + (accs[2] + accs[3]))
                       + ((accs[4] + accs[5]) + (accs[6] + accs[7])))
        pltpu.sync_copy(acc_st, out_hbm.at[wid])

    return k


def kernel(preds, target, table):
    B, S, D = preds.shape
    N = B * S
    pp = (preds.reshape(B, S // 2, 2 * D)
          .transpose(1, 0, 2)
          .reshape(S // 2 * B, 2 * D))
    partials = _build_sc_mse(B, S, D)(
        pp,
        target.T,
        table,
    )
    return jnp.sum(partials) * jnp.float32(1.0 / (N * D))

# --- scband reference (transcript-rebuilt; emitter-appended) ---
"""Pipeline reference for scband-embedding-loss-76656576299754 (READ-ONLY COPY).

The authoritative reference and input builder live on the scoring server;
editing this copy changes nothing except your own understanding.
"""

import jax, jax.numpy as jnp
import numpy as np

VOCAB = 1000000
EMBED_DIM = 64
BATCH = 4096
SEQ = 200


def setup_inputs(seed: int = 0) -> dict:
    key = jax.random.key(seed)
    k1, k2, k3 = jax.random.split(key, 3)
    preds = jax.random.normal(k1, (BATCH, SEQ, EMBED_DIM), dtype=jnp.float32)
    target = jax.random.randint(k2, (BATCH, SEQ), 0, VOCAB, dtype=jnp.int32)
    # pretrained embedding table (nn.Embedding.from_pretrained(tgt_voc.vocab.vectors))
    table = jax.random.normal(k3, (VOCAB, EMBED_DIM), dtype=jnp.float32)
    return {"preds": preds, "target": target, "table": table}


def reference(preds, target, table):
    # self.tgt_embedding(target) -> gather rows from pretrained table
    emb = jnp.take(table, target, axis=0)  # [B, S, D]
    # self.loss(preds, emb) with loss = nn.MSELoss() (mean reduction)
    return jnp.mean((preds - emb) ** 2)

if __name__ == "__main__":
    import jax
    _d = setup_inputs()
    print(jax.jit(kernel)(*tuple(_d.values())))

</pallas_src>

<mosaic_0001>
#map = affine_map<(d0, d1) -> (0, 0)>
module attributes {stable_mosaic.version = 14 : i64} {
  func.func @k(%arg0: i32, %arg1: i32, %arg2: memref<409600x128xf32, #tpu.memory_space<hbm>>, %arg3: memref<200x4096xi32, #tpu.memory_space<hbm>>, %arg4: memref<1000000x64xf32, #tpu.memory_space<hbm>>, %arg5: memref<32x16xf32, #tpu.memory_space<hbm>>, %arg6: memref<200x128xi32, #tpu.memory_space<vmem>>, %arg7: memref<128x128xf32, #tpu.memory_space<vmem>>, %arg8: memref<128x128xf32, #tpu.memory_space<vmem>>, %arg9: memref<128x64xf32, #tpu.memory_space<vmem>>, %arg10: memref<128x64xf32, #tpu.memory_space<vmem>>, %arg11: memref<128x64xf32, #tpu.memory_space<vmem>>, %arg12: memref<128x64xf32, #tpu.memory_space<vmem>>, %arg13: memref<16xf32, #tpu.memory_space<vmem>>, %arg14: memref<!tpu.dma_semaphore, #tpu.memory_space<semaphore_mem>>, %arg15: memref<!tpu.dma_semaphore, #tpu.memory_space<semaphore_mem>>, %arg16: memref<!tpu.dma_semaphore, #tpu.memory_space<semaphore_mem>>, %arg17: memref<!tpu.dma_semaphore, #tpu.memory_space<semaphore_mem>>, %arg18: memref<!tpu.dma_semaphore, #tpu.memory_space<semaphore_mem>>, %arg19: memref<!tpu.dma_semaphore, #tpu.memory_space<semaphore_mem>>) attributes {dimension_semantics = [#tpu.dimension_semantics<core_parallel>, #tpu.dimension_semantics<subcore_parallel>], iteration_bounds = array<i64: 2, 16>, scalar_prefetch = 0 : i64, scratch_operands = 14 : i64, tpu.core_type = #tpu.core_type<sc_vector_subcore>, window_params = [{transform_indices = #map}, {transform_indices = #map}, {transform_indices = #map}, {transform_indices = #map}]} {
    %mul3A = arith.constant 2 : i32
    %mul3A_0 = arith.muli %arg1, %mul3A : i32
    %add3A = arith.addi %mul3A_0, %arg0 : i32
    %mul3A_1 = arith.constant 128 : i32
    %mul3A_2 = arith.muli %add3A, %mul3A_1 : i32
    "tpu.region"() ({
      %run_scoped3A = tpu.sem_alloc : memref<!tpu.dma_semaphore, #tpu.memory_space<semaphore_mem>>
      %dma_start3A_38 = arith.constant 0 : i32
      %dma_start3A_39 = tpu.memref_slice %arg3[%dma_start3A_38, %mul3A_2] : memref<200x4096xi32, #tpu.memory_space<hbm>> -> memref<200x128xi32, #tpu.memory_space<hbm>>
      %dma_start3A_40 = arith.constant 0 : i32
      %dma_start3A_41 = tpu.memref_slice %arg3[%dma_start3A_40, %mul3A_2] : memref<200x4096xi32, #tpu.memory_space<hbm>> -> memref<200x128xi32, #tpu.memory_space<hbm>>
      tpu.enqueue_dma source(%dma_start3A_41 : memref<200x128xi32, #tpu.memory_space<hbm>>) target(%arg6 : memref<200x128xi32, #tpu.memory_space<vmem>>) target_semaphore(%run_scoped3A : memref<!tpu.dma_semaphore, #tpu.memory_space<semaphore_mem>>)
      %dma_wait3A = arith.constant 0 : i32
      %dma_wait3A_42 = tpu.memref_slice %arg3[%dma_wait3A, %mul3A_2] : memref<200x4096xi32, #tpu.memory_space<hbm>> -> memref<200x128xi32, #tpu.memory_space<hbm>>
      %dma_wait3A_43 = arith.constant 0 : i32
      %dma_wait3A_44 = tpu.memref_slice %arg3[%dma_wait3A_43, %mul3A_2] : memref<200x4096xi32, #tpu.memory_space<hbm>> -> memref<200x128xi32, #tpu.memory_space<hbm>>
      tpu.wait_dma2 semaphore(%run_scoped3A : memref<!tpu.dma_semaphore, #tpu.memory_space<semaphore_mem>>) src(%dma_wait3A_44 : memref<200x128xi32, #tpu.memory_space<hbm>>) dst(%arg6 : memref<200x128xi32, #tpu.memory_space<vmem>>)
      tpu.yield
    }) : () -> ()
    %add3A_3 = arith.constant 0 : i32
    %add3A_4 = arith.addi %add3A_3, %mul3A_2 : i32
    %dma_start3A = arith.constant 0 : i32
    %dma_start3A_5 = tpu.memref_slice %arg2[%add3A_4, %dma_start3A] : memref<409600x128xf32, #tpu.memory_space<hbm>> -> memref<128x128xf32, #tpu.memory_space<hbm>>
    %dma_start3A_6 = arith.constant 0 : i32
    %dma_start3A_7 = tpu.memref_slice %arg2[%add3A_4, %dma_start3A_6] : memref<409600x128xf32, #tpu.memory_space<hbm>> -> memref<128x128xf32, #tpu.memory_space<hbm>>
    tpu.enqueue_dma source(%dma_start3A_7 : memref<128x128xf32, #tpu.memory_space<hbm>>) target(%arg7 : memref<128x128xf32, #tpu.memory_space<vmem>>) target_semaphore(%arg14 : memref<!tpu.dma_semaphore, #tpu.memory_space<semaphore_mem>>)
    %dma_start3A_8 = arith.constant 0 : i32
    %dma_start3A_9 = arith.constant 0 : i32
    %dma_start3A_10 = tpu.memref_slice %arg6[%dma_start3A_8, %dma_start3A_9] : memref<200x128xi32, #tpu.memory_space<vmem>> -> memref<1x128xi32, #tpu.memory_space<vmem>>
    %dma_start3A_11 = tpu.memref_squeeze %dma_start3A_10 : memref<1x128xi32, #tpu.memory_space<vmem>> -> memref<128xi32, #tpu.memory_space<vmem>>
    %dma_start3A_12 = arith.constant 0 : i32
    %dma_start3A_13 = arith.constant 0 : i32
    %dma_start3A_14 = tpu.memref_slice %arg4[%dma_start3A_12, %dma_start3A_13] : memref<1000000x64xf32, #tpu.memory_space<hbm>> -> memref<1000000x64xf32, #tpu.memory_space<hbm>>
    tpu.enqueue_indirect_dma source(%dma_start3A_14 : memref<1000000x64xf32, #tpu.memory_space<hbm>>) target(%arg9 : memref<128x64xf32, #tpu.memory_space<vmem>>) offsets(%dma_start3A_11 : memref<128xi32, #tpu.memory_space<vmem>>) semaphore(%arg16 : memref<!tpu.dma_semaphore, #tpu.memory_space<semaphore_mem>>)
    %dma_start3A_15 = arith.constant 1 : i32
    %dma_start3A_16 = arith.constant 0 : i32
    %dma_start3A_17 = tpu.memref_slice %arg6[%dma_start3A_15, %dma_start3A_16] : memref<200x128xi32, #tpu.memory_space<vmem>> -> memref<1x128xi32, #tpu.memory_space<vmem>>
    %dma_start3A_18 = tpu.memref_squeeze %dma_start3A_17 : memref<1x128xi32, #tpu.memory_space<vmem>> -> memref<128xi32, #tpu.memory_space<vmem>>
    %dma_start3A_19 = arith.constant 0 : i32
    %dma_start3A_20 = arith.constant 0 : i32
    %dma_start3A_21 = tpu.memref_slice %arg4[%dma_start3A_19, %dma_start3A_20] : memref<1000000x64xf32, #tpu.memory_space<hbm>> -> memref<1000000x64xf32, #tpu.memory_space<hbm>>
    tpu.enqueue_indirect_dma source(%dma_start3A_21 : memref<1000000x64xf32, #tpu.memory_space<hbm>>) target(%arg11 : memref<128x64xf32, #tpu.memory_space<vmem>>) offsets(%dma_start3A_18 : memref<128xi32, #tpu.memory_space<vmem>>) semaphore(%arg18 : memref<!tpu.dma_semaphore, #tpu.memory_space<semaphore_mem>>)
    %broadcast_in_dim3A = arith.constant 0.000000e+00 : f32
    %broadcast_in_dim3A_22 = vector.broadcast %broadcast_in_dim3A : f32 to vector<16xf32>
    %scan3A = arith.constant 0 : i32
    %scan3A_23 = arith.constant 50 : i32
    %scan3A_24 = arith.addi %scan3A, %scan3A_23 : i32
    %scan3A_25 = arith.constant 1 : i32
    %scan3A_26:8 = scf.for %scan3A_38 = %scan3A to %scan3A_24 step %scan3A_25 iter_args(%scan3A_39 = %broadcast_in_dim3A_22, %scan3A_40 = %broadcast_in_dim3A_22, %scan3A_41 = %broadcast_in_dim3A_22, %scan3A_42 = %broadcast_in_dim3A_22, %scan3A_43 = %broadcast_in_dim3A_22, %scan3A_44 = %broadcast_in_dim3A_22, %scan3A_45 = %broadcast_in_dim3A_22, %scan3A_46 = %broadcast_in_dim3A_22) -> (vector<16xf32>, vector<16xf32>, vector<16xf32>, vector<16xf32>, vector<16xf32>, vector<16xf32>, vector<16xf32>, vector<16xf32>)  : i32 {
      %mul3A_47 = arith.constant 2 : i32
      %mul3A_48 = arith.muli %mul3A_47, %scan3A_38 : i32
      %add3A_49 = arith.constant 1 : i32
      %add3A_50 = arith.addi %mul3A_48, %add3A_49 : i32
      %mul3A_51 = arith.constant 4096 : i32
      %mul3A_52 = arith.muli %add3A_50, %mul3A_51 : i32
      %add3A_53 = arith.addi %mul3A_52, %mul3A_2 : i32
      %dma_start3A_54 = arith.constant 0 : i32
      %dma_start3A_55 = tpu.memref_slice %arg2[%add3A_53, %dma_start3A_54] : memref<409600x128xf32, #tpu.memory_space<hbm>> -> memref<128x128xf32, #tpu.memory_space<hbm>>
      %dma_start3A_56 = arith.constant 0 : i32
      %dma_start3A_57 = tpu.memref_slice %arg2[%add3A_53, %dma_start3A_56] : memref<409600x128xf32, #tpu.memory_space<hbm>> -> memref<128x128xf32, #tpu.memory_space<hbm>>
      tpu.enqueue_dma source(%dma_start3A_57 : memref<128x128xf32, #tpu.memory_space<hbm>>) target(%arg8 : memref<128x128xf32, #tpu.memory_space<vmem>>) target_semaphore(%arg15 : memref<!tpu.dma_semaphore, #tpu.memory_space<semaphore_mem>>)
      %mul3A_58 = arith.constant 2 : i32
      %mul3A_59 = arith.muli %mul3A_58, %add3A_50 : i32
      %dma_start3A_60 = arith.constant 0 : i32
      %dma_start3A_61 = tpu.memref_slice %arg6[%mul3A_59, %dma_start3A_60] : memref<200x128xi32, #tpu.memory_space<vmem>> -> memref<1x128xi32, #tpu.memory_space<vmem>>
      %dma_start3A_62 = tpu.memref_squeeze %dma_start3A_61 : memref<1x128xi32, #tpu.memory_space<vmem>> -> memref<128xi32, #tpu.memory_space<vmem>>
      %dma_start3A_63 = arith.constant 0 : i32
      %dma_start3A_64 = arith.constant 0 : i32
      %dma_start3A_65 = tpu.memref_slice %arg4[%dma_start3A_63, %dma_start3A_64] : memref<1000000x64xf32, #tpu.memory_space<hbm>> -> memref<1000000x64xf32, #tpu.memory_space<hbm>>
      tpu.enqueue_indirect_dma source(%dma_start3A_65 : memref<1000000x64xf32, #tpu.memory_space<hbm>>) target(%arg10 : memref<128x64xf32, #tpu.memory_space<vmem>>) offsets(%dma_start3A_62 : memref<128xi32, #tpu.memory_space<vmem>>) semaphore(%arg17 : memref<!tpu.dma_semaphore, #tpu.memory_space<semaphore_mem>>)
      %mul3A_66 = arith.constant 2 : i32
      %mul3A_67 = arith.muli %mul3A_66, %add3A_50 : i32
      %add3A_68 = arith.constant 1 : i32
      %add3A_69 = arith.addi %mul3A_67, %add3A_68 : i32
      %dma_start3A_70 = arith.constant 0 : i32
      %dma_start3A_71 = tpu.memref_slice %arg6[%add3A_69, %dma_start3A_70] : memref<200x128xi32, #tpu.memory_space<vmem>> -> memref<1x128xi32, #tpu.memory_space<vmem>>
      %dma_start3A_72 = tpu.memref_squeeze %dma_start3A_71 : memref<1x128xi32, #tpu.memory_space<vmem>> -> memref<128xi32, #tpu.memory_space<vmem>>
      %dma_start3A_73 = arith.constant 0 : i32
      %dma_start3A_74 = arith.constant 0 : i32
      %dma_start3A_75 = tpu.memref_slice %arg4[%dma_start3A_73, %dma_start3A_74] : memref<1000000x64xf32, #tpu.memory_space<hbm>> -> memref<1000000x64xf32, #tpu.memory_space<hbm>>
      tpu.enqueue_indirect_dma source(%dma_start3A_75 : memref<1000000x64xf32, #tpu.memory_space<hbm>>) target(%arg12 : memref<128x64xf32, #tpu.memory_space<vmem>>) offsets(%dma_start3A_72 : memref<128xi32, #tpu.memory_space<vmem>>) semaphore(%arg19 : memref<!tpu.dma_semaphore, #tpu.memory_space<semaphore_mem>>)
      %mul3A_76 = arith.constant 2 : i32
      %mul3A_77 = arith.muli %mul3A_76, %scan3A_38 : i32
      %mul3A_78 = arith.constant 4096 : i32
      %mul3A_79 = arith.muli %mul3A_77, %mul3A_78 : i32
      %add3A_80 = arith.addi %mul3A_79, %mul3A_2 : i32
      %dma_wait3A = arith.constant 0 : i32
      %dma_wait3A_81 = tpu.memref_slice %arg2[%add3A_80, %dma_wait3A] : memref<409600x128xf32, #tpu.memory_space<hbm>> -> memref<128x128xf32, #tpu.memory_space<hbm>>
      %dma_wait3A_82 = arith.constant 0 : i32
      %dma_wait3A_83 = tpu.memref_slice %arg2[%add3A_80, %dma_wait3A_82] : memref<409600x128xf32, #tpu.memory_space<hbm>> -> memref<128x128xf32, #tpu.memory_space<hbm>>
      tpu.wait_dma2 semaphore(%arg14 : memref<!tpu.dma_semaphore, #tpu.memory_space<semaphore_mem>>) src(%dma_wait3A_83 : memref<128x128xf32, #tpu.memory_space<hbm>>) dst(%arg7 : memref<128x128xf32, #tpu.memory_space<vmem>>)
      %mul3A_84 = arith.constant 2 : i32
      %mul3A_85 = arith.muli %mul3A_84, %mul3A_77 : i32
      %dma_wait3A_86 = arith.constant 0 : i32
      %dma_wait3A_87 = tpu.memref_slice %arg6[%mul3A_85, %dma_wait3A_86] : memref<200x128xi32, #tpu.memory_space<vmem>> -> memref<1x128xi32, #tpu.memory_space<vmem>>
      %dma_wait3A_88 = tpu.memref_squeeze %dma_wait3A_87 : memref<1x128xi32, #tpu.memory_space<vmem>> -> memref<128xi32, #tpu.memory_space<vmem>>
      %dma_wait3A_89 = arith.constant 0 : i32
      %dma_wait3A_90 = arith.constant 0 : i32
      %dma_wait3A_91 = tpu.memref_slice %arg4[%dma_wait3A_89, %dma_wait3A_90] : memref<1000000x64xf32, #tpu.memory_space<hbm>> -> memref<1000000x64xf32, #tpu.memory_space<hbm>>
      tpu.wait_indirect_dma semaphore(%arg16 : memref<!tpu.dma_semaphore, #tpu.memory_space<semaphore_mem>>) src(%dma_wait3A_91 : memref<1000000x64xf32, #tpu.memory_space<hbm>>) dst(%arg9 : memref<128x64xf32, #tpu.memory_space<vmem>>)
      %mul3A_92 = arith.constant 2 : i32
      %mul3A_93 = arith.muli %mul3A_92, %mul3A_77 : i32
      %add3A_94 = arith.constant 1 : i32
      %add3A_95 = arith.addi %mul3A_93, %add3A_94 : i32
      %dma_wait3A_96 = arith.constant 0 : i32
      %dma_wait3A_97 = tpu.memref_slice %arg6[%add3A_95, %dma_wait3A_96] : memref<200x128xi32, #tpu.memory_space<vmem>> -> memref<1x128xi32, #tpu.memory_space<vmem>>
      %dma_wait3A_98 = tpu.memref_squeeze %dma_wait3A_97 : memref<1x128xi32, #tpu.memory_space<vmem>> -> memref<128xi32, #tpu.memory_space<vmem>>
      %dma_wait3A_99 = arith.constant 0 : i32
      %dma_wait3A_100 = arith.constant 0 : i32
      %dma_wait3A_101 = tpu.memref_slice %arg4[%dma_wait3A_99, %dma_wait3A_100] : memref<1000000x64xf32, #tpu.memory_space<hbm>> -> memref<1000000x64xf32, #tpu.memory_space<hbm>>
      tpu.wait_indirect_dma semaphore(%arg18 : memref<!tpu.dma_semaphore, #tpu.memory_space<semaphore_mem>>) src(%dma_wait3A_101 : memref<1000000x64xf32, #tpu.memory_space<hbm>>) dst(%arg11 : memref<128x64xf32, #tpu.memory_space<vmem>>)
      %scan3A_102 = arith.constant 0 : i32
      %scan3A_103 = arith.constant 64 : i32
      %scan3A_104 = arith.addi %scan3A_102, %scan3A_103 : i32
      %scan3A_105 = arith.constant 1 : i32
      %scan3A_106:8 = scf.for %scan3A_145 = %scan3A_102 to %scan3A_104 step %scan3A_105 iter_args(%scan3A_146 = %scan3A_39, %scan3A_147 = %scan3A_40, %scan3A_148 = %scan3A_41, %scan3A_149 = %scan3A_42, %scan3A_150 = %scan3A_43, %scan3A_151 = %scan3A_44, %scan3A_152 = %scan3A_45, %scan3A_153 = %scan3A_46) -> (vector<16xf32>, vector<16xf32>, vector<16xf32>, vector<16xf32>, vector<16xf32>, vector<16xf32>, vector<16xf32>, vector<16xf32>)  : i32 {
        %mul3A_154 = arith.constant 2 : i32
        %mul3A_155 = arith.muli %scan3A_145, %mul3A_154 : i32
        %add3A_156 = arith.constant 0 : i32
        %add3A_157 = arith.addi %mul3A_155, %add3A_156 : i32
        %get3A = arith.index_cast %add3A_157 : i32 to index
        %get3A_158 = arith.constant 0 : index
        %get3A_159 = tpu.vector_load %arg7[%get3A, %get3A_158] {strides = array<i32>} : memref<128x128xf32, #tpu.memory_space<vmem>>, vector<1x16xf32>,
        %get3A_160 = vector.shape_cast %get3A_159 : vector<1x16xf32> to vector<16xf32>
        %get3A_161 = arith.index_cast %add3A_157 : i32 to index
        %get3A_162 = arith.constant 0 : index
        %get3A_163 = tpu.vector_load %arg9[%get3A_161, %get3A_162] {strides = array<i32>} : memref<128x64xf32, #tpu.memory_space<vmem>>, vector<1x16xf32>,
        %get3A_164 = vector.shape_cast %get3A_163 : vector<1x16xf32> to vector<16xf32>
        %sub3A = arith.subf %get3A_160, %get3A_164 : vector<16xf32>
        %mul3A_165 = arith.mulf %sub3A, %sub3A : vector<16xf32>
        %add3A_166 = arith.addf %scan3A_146, %mul3A_165 : vector<16xf32>
        %get3A_167 = arith.index_cast %add3A_157 : i32 to index
        %get3A_168 = arith.constant 64 : index
        %get3A_169 = tpu.vector_load %arg7[%get3A_167, %get3A_168] {strides = array<i32>} : memref<128x128xf32, #tpu.memory_space<vmem>>, vector<1x16xf32>,
        %get3A_170 = vector.shape_cast %get3A_169 : vector<1x16xf32> to vector<16xf32>
        %get3A_171 = arith.index_cast %add3A_157 : i32 to index
        %get3A_172 = arith.constant 0 : index
        %get3A_173 = tpu.vector_load %arg11[%get3A_171, %get3A_172] {strides = array<i32>} : memref<128x64xf32, #tpu.memory_space<vmem>>, vector<1x16xf32>,
        %get3A_174 = vector.shape_cast %get3A_173 : vector<1x16xf32> to vector<16xf32>
        %sub3A_175 = arith.subf %get3A_170, %get3A_174 : vector<16xf32>
        %mul3A_176 = arith.mulf %sub3A_175, %sub3A_175 : vector<16xf32>
        %add3A_177 = arith.addf %scan3A_150, %mul3A_176 : vector<16xf32>
        %get3A_178 = arith.index_cast %add3A_157 : i32 to index
        %get3A_179 = arith.constant 16 : index
        %get3A_180 = tpu.vector_load %arg7[%get3A_178, %get3A_179] {strides = array<i32>} : memref<128x128xf32, #tpu.memory_space<vmem>>, vector<1x16xf32>,
        %get3A_181 = vector.shape_cast %get3A_180 : vector<1x16xf32> to vector<16xf32>
        %get3A_182 = arith.index_cast %add3A_157 : i32 to index
        %get3A_183 = arith.constant 16 : index
        %get3A_184 = tpu.vector_load %arg9[%get3A_182, %get3A_183] {strides = array<i32>} : memref<128x64xf32, #tpu.memory_space<vmem>>, vector<1x16xf32>,
        %get3A_185 = vector.shape_cast %get3A_184 : vector<1x16xf32> to vector<16xf32>
        %sub3A_186 = arith.subf %get3A_181, %get3A_185 : vector<16xf32>
        %mul3A_187 = arith.mulf %sub3A_186, %sub3A_186 : vector<16xf32>
        %add3A_188 = arith.addf %scan3A_147, %mul3A_187 : vector<16xf32>
        %get3A_189 = arith.index_cast %add3A_157 : i32 to index
        %get3A_190 = arith.constant 80 : index
        %get3A_191 = tpu.vector_load %arg7[%get3A_189, %get3A_190] {strides = array<i32>} : memref<128x128xf32, #tpu.memory_space<vmem>>, vector<1x16xf32>,
        %get3A_192 = vector.shape_cast %get3A_191 : vector<1x16xf32> to vector<16xf32>
        %get3A_193 = arith.index_cast %add3A_157 : i32 to index
        %get3A_194 = arith.constant 16 : index
        %get3A_195 = tpu.vector_load %arg11[%get3A_193, %get3A_194] {strides = array<i32>} : memref<128x64xf32, #tpu.memory_space<vmem>>, vector<1x16xf32>,
        %get3A_196 = vector.shape_cast %get3A_195 : vector<1x16xf32> to vector<16xf32>
        %sub3A_197 = arith.subf %get3A_192, %get3A_196 : vector<16xf32>
        %mul3A_198 = arith.mulf %sub3A_197, %sub3A_197 : vector<16xf32>
        %add3A_199 = arith.addf %scan3A_151, %mul3A_198 : vector<16xf32>
        %get3A_200 = arith.index_cast %add3A_157 : i32 to index
        %get3A_201 = arith.constant 32 : index
        %get3A_202 = tpu.vector_load %arg7[%get3A_200, %get3A_201] {strides = array<i32>} : memref<128x128xf32, #tpu.memory_space<vmem>>, vector<1x16xf32>,
        %get3A_203 = vector.shape_cast %get3A_202 : vector<1x16xf32> to vector<16xf32>
        %get3A_204 = arith.index_cast %add3A_157 : i32 to index
        %get3A_205 = arith.constant 32 : index
        %get3A_206 = tpu.vector_load %arg9[%get3A_204, %get3A_205] {strides = array<i32>} : memref<128x64xf32, #tpu.memory_space<vmem>>, vector<1x16xf32>,
        %get3A_207 = vector.shape_cast %get3A_206 : vector<1x16xf32> to vector<16xf32>
        %sub3A_208 = arith.subf %get3A_203, %get3A_207 : vector<16xf32>
        %mul3A_209 = arith.mulf %sub3A_208, %sub3A_208 : vector<16xf32>
        %add3A_210 = arith.addf %scan3A_148, %mul3A_209 : vector<16xf32>
        %get3A_211 = arith.index_cast %add3A_157 : i32 to index
        %get3A_212 = arith.constant 96 : index
        %get3A_213 = tpu.vector_load %arg7[%get3A_211, %get3A_212] {strides = array<i32>} : memref<128x128xf32, #tpu.memory_space<vmem>>, vector<1x16xf32>,
        %get3A_214 = vector.shape_cast %get3A_213 : vector<1x16xf32> to vector<16xf32>
        %get3A_215 = arith.index_cast %add3A_157 : i32 to index
        %get3A_216 = arith.constant 32 : index
        %get3A_217 = tpu.vector_load %arg11[%get3A_215, %get3A_216] {strides = array<i32>} : memref<128x64xf32, #tpu.memory_space<vmem>>, vector<1x16xf32>,
        %get3A_218 = vector.shape_cast %get3A_217 : vector<1x16xf32> to vector<16xf32>
        %sub3A_219 = arith.subf %get3A_214, %get3A_218 : vector<16xf32>
        %mul3A_220 = arith.mulf %sub3A_219, %sub3A_219 : vector<16xf32>
        %add3A_221 = arith.addf %scan3A_152, %mul3A_220 : vector<16xf32>
        %get3A_222 = arith.index_cast %add3A_157 : i32 to index
        %get3A_223 = arith.constant 48 : index
        %get3A_224 = tpu.vector_load %arg7[%get3A_222, %get3A_223] {strides = array<i32>} : memref<128x128xf32, #tpu.memory_space<vmem>>, vector<1x16xf32>,
        %get3A_225 = vector.shape_cast %get3A_224 : vector<1x16xf32> to vector<16xf32>
        %get3A_226 = arith.index_cast %add3A_157 : i32 to index
        %get3A_227 = arith.constant 48 : index
        %get3A_228 = tpu.vector_load %arg9[%get3A_226, %get3A_227] {strides = array<i32>} : memref<128x64xf32, #tpu.memory_space<vmem>>, vector<1x16xf32>,
        %get3A_229 = vector.shape_cast %get3A_228 : vector<1x16xf32> to vector<16xf32>
        %sub3A_230 = arith.subf %get3A_225, %get3A_229 : vector<16xf32>
        %mul3A_231 = arith.mulf %sub3A_230, %sub3A_230 : vector<16xf32>
        %add3A_232 = arith.addf %scan3A_149, %mul3A_231 : vector<16xf32>
        %get3A_233 = arith.index_cast %add3A_157 : i32 to index
        %get3A_234 = arith.constant 112 : index
        %get3A_235 = tpu.vector_load %arg7[%get3A_233, %get3A_234] {strides = array<i32>} : memref<128x128xf32, #tpu.memory_space<vmem>>, vector<1x16xf32>,
        %get3A_236 = vector.shape_cast %get3A_235 : vector<1x16xf32> to vector<16xf32>
        %get3A_237 = arith.index_cast %add3A_157 : i32 to index
        %get3A_238 = arith.constant 48 : index
        %get3A_239 = tpu.vector_load %arg11[%get3A_237, %get3A_238] {strides = array<i32>} : memref<128x64xf32, #tpu.memory_space<vmem>>, vector<1x16xf32>,
        %get3A_240 = vector.shape_cast %get3A_239 : vector<1x16xf32> to vector<16xf32>
        %sub3A_241 = arith.subf %get3A_236, %get3A_240 : vector<16xf32>
        %mul3A_242 = arith.mulf %sub3A_241, %sub3A_241 : vector<16xf32>
        %add3A_243 = arith.addf %scan3A_153, %mul3A_242 : vector<16xf32>
        %mul3A_244 = arith.constant 2 : i32
        %mul3A_245 = arith.muli %scan3A_145, %mul3A_244 : i32
        %add3A_246 = arith.constant 1 : i32
        %add3A_247 = arith.addi %mul3A_245, %add3A_246 : i32
        %get3A_248 = arith.index_cast %add3A_247 : i32 to index
        %get3A_249 = arith.constant 0 : index
        %get3A_250 = tpu.vector_load %arg7[%get3A_248, %get3A_249] {strides = array<i32>} : memref<128x128xf32, #tpu.memory_space<vmem>>, vector<1x16xf32>,
        %get3A_251 = vector.shape_cast %get3A_250 : vector<1x16xf32> to vector<16xf32>
        %get3A_252 = arith.index_cast %add3A_247 : i32 to index
        %get3A_253 = arith.constant 0 : index
        %get3A_254 = tpu.vector_load %arg9[%get3A_252, %get3A_253] {strides = array<i32>} : memref<128x64xf32, #tpu.memory_space<vmem>>, vector<1x16xf32>,
        %get3A_255 = vector.shape_cast %get3A_254 : vector<1x16xf32> to vector<16xf32>
        %sub3A_256 = arith.subf %get3A_251, %get3A_255 : vector<16xf32>
        %mul3A_257 = arith.mulf %sub3A_256, %sub3A_256 : vector<16xf32>
        %add3A_258 = arith.addf %add3A_166, %mul3A_257 : vector<16xf32>
        %get3A_259 = arith.index_cast %add3A_247 : i32 to index
        %get3A_260 = arith.constant 64 : index
        %get3A_261 = tpu.vector_load %arg7[%get3A_259, %get3A_260] {strides = array<i32>} : memref<128x128xf32, #tpu.memory_space<vmem>>, vector<1x16xf32>,
        %get3A_262 = vector.shape_cast %get3A_261 : vector<1x16xf32> to vector<16xf32>
        %get3A_263 = arith.index_cast %add3A_247 : i32 to index
        %get3A_264 = arith.constant 0 : index
        %get3A_265 = tpu.vector_load %arg11[%get3A_263, %get3A_264] {strides = array<i32>} : memref<128x64xf32, #tpu.memory_space<vmem>>, vector<1x16xf32>,
        %get3A_266 = vector.shape_cast %get3A_265 : vector<1x16xf32> to vector<16xf32>
        %sub3A_267 = arith.subf %get3A_262, %get3A_266 : vector<16xf32>
        %mul3A_268 = arith.mulf %sub3A_267, %sub3A_267 : vector<16xf32>
        %add3A_269 = arith.addf %add3A_177, %mul3A_268 : vector<16xf32>
        %get3A_270 = arith.index_cast %add3A_247 : i32 to index
        %get3A_271 = arith.constant 16 : index
        %get3A_272 = tpu.vector_load %arg7[%get3A_270, %get3A_271] {strides = array<i32>} : memref<128x128xf32, #tpu.memory_space<vmem>>, vector<1x16xf32>,
        %get3A_273 = vector.shape_cast %get3A_272 : vector<1x16xf32> to vector<16xf32>
        %get3A_274 = arith.index_cast %add3A_247 : i32 to index
        %get3A_275 = arith.constant 16 : index
        %get3A_276 = tpu.vector_load %arg9[%get3A_274, %get3A_275] {strides = array<i32>} : memref<128x64xf32, #tpu.memory_space<vmem>>, vector<1x16xf32>,
        %get3A_277 = vector.shape_cast %get3A_276 : vector<1x16xf32> to vector<16xf32>
        %sub3A_278 = arith.subf %get3A_273, %get3A_277 : vector<16xf32>
        %mul3A_279 = arith.mulf %sub3A_278, %sub3A_278 : vector<16xf32>
        %add3A_280 = arith.addf %add3A_188, %mul3A_279 : vector<16xf32>
        %get3A_281 = arith.index_cast %add3A_247 : i32 to index
        %get3A_282 = arith.constant 80 : index
        %get3A_283 = tpu.vector_load %arg7[%get3A_281, %get3A_282] {strides = array<i32>} : memref<128x128xf32, #tpu.memory_space<vmem>>, vector<1x16xf32>,
        %get3A_284 = vector.shape_cast %get3A_283 : vector<1x16xf32> to vector<16xf32>
        %get3A_285 = arith.index_cast %add3A_247 : i32 to index
        %get3A_286 = arith.constant 16 : index
        %get3A_287 = tpu.vector_load %arg11[%get3A_285, %get3A_286] {strides = array<i32>} : memref<128x64xf32, #tpu.memory_space<vmem>>, vector<1x16xf32>,
        %get3A_288 = vector.shape_cast %get3A_287 : vector<1x16xf32> to vector<16xf32>
        %sub3A_289 = arith.subf %get3A_284, %get3A_288 : vector<16xf32>
        %mul3A_290 = arith.mulf %sub3A_289, %sub3A_289 : vector<16xf32>
        %add3A_291 = arith.addf %add3A_199, %mul3A_290 : vector<16xf32>
        %get3A_292 = arith.index_cast %add3A_247 : i32 to index
        %get3A_293 = arith.constant 32 : index
        %get3A_294 = tpu.vector_load %arg7[%get3A_292, %get3A_293] {strides = array<i32>} : memref<128x128xf32, #tpu.memory_space<vmem>>, vector<1x16xf32>,
        %get3A_295 = vector.shape_cast %get3A_294 : vector<1x16xf32> to vector<16xf32>
        %get3A_296 = arith.index_cast %add3A_247 : i32 to index
        %get3A_297 = arith.constant 32 : index
        %get3A_298 = tpu.vector_load %arg9[%get3A_296, %get3A_297] {strides = array<i32>} : memref<128x64xf32, #tpu.memory_space<vmem>>, vector<1x16xf32>,
        %get3A_299 = vector.shape_cast %get3A_298 : vector<1x16xf32> to vector<16xf32>
        %sub3A_300 = arith.subf %get3A_295, %get3A_299 : vector<16xf32>
        %mul3A_301 = arith.mulf %sub3A_300, %sub3A_300 : vector<16xf32>
        %add3A_302 = arith.addf %add3A_210, %mul3A_301 : vector<16xf32>
        %get3A_303 = arith.index_cast %add3A_247 : i32 to index
        %get3A_304 = arith.constant 96 : index
        %get3A_305 = tpu.vector_load %arg7[%get3A_303, %get3A_304] {strides = array<i32>} : memref<128x128xf32, #tpu.memory_space<vmem>>, vector<1x16xf32>,
        %get3A_306 = vector.shape_cast %get3A_305 : vector<1x16xf32> to vector<16xf32>
        %get3A_307 = arith.index_cast %add3A_247 : i32 to index
        %get3A_308 = arith.constant 32 : index
        %get3A_309 = tpu.vector_load %arg11[%get3A_307, %get3A_308] {strides = array<i32>} : memref<128x64xf32, #tpu.memory_space<vmem>>, vector<1x16xf32>,
        %get3A_310 = vector.shape_cast %get3A_309 : vector<1x16xf32> to vector<16xf32>
        %sub3A_311 = arith.subf %get3A_306, %get3A_310 : vector<16xf32>
        %mul3A_312 = arith.mulf %sub3A_311, %sub3A_311 : vector<16xf32>
        %add3A_313 = arith.addf %add3A_221, %mul3A_312 : vector<16xf32>
        %get3A_314 = arith.index_cast %add3A_247 : i32 to index
        %get3A_315 = arith.constant 48 : index
        %get3A_316 = tpu.vector_load %arg7[%get3A_314, %get3A_315] {strides = array<i32>} : memref<128x128xf32, #tpu.memory_space<vmem>>, vector<1x16xf32>,
        %get3A_317 = vector.shape_cast %get3A_316 : vector<1x16xf32> to vector<16xf32>
        %get3A_318 = arith.index_cast %add3A_247 : i32 to index
        %get3A_319 = arith.constant 48 : index
        %get3A_320 = tpu.vector_load %arg9[%get3A_318, %get3A_319] {strides = array<i32>} : memref<128x64xf32, #tpu.memory_space<vmem>>, vector<1x16xf32>,
        %get3A_321 = vector.shape_cast %get3A_320 : vector<1x16xf32> to vector<16xf32>
        %sub3A_322 = arith.subf %get3A_317, %get3A_321 : vector<16xf32>
        %mul3A_323 = arith.mulf %sub3A_322, %sub3A_322 : vector<16xf32>
        %add3A_324 = arith.addf %add3A_232, %mul3A_323 : vector<16xf32>
        %get3A_325 = arith.index_cast %add3A_247 : i32 to index
        %get3A_326 = arith.constant 112 : index
        %get3A_327 = tpu.vector_load %arg7[%get3A_325, %get3A_326] {strides = array<i32>} : memref<128x128xf32, #tpu.memory_space<vmem>>, vector<1x16xf32>,
        %get3A_328 = vector.shape_cast %get3A_327 : vector<1x16xf32> to vector<16xf32>
        %get3A_329 = arith.index_cast %add3A_247 : i32 to index
        %get3A_330 = arith.constant 48 : index
        %get3A_331 = tpu.vector_load %arg11[%get3A_329, %get3A_330] {strides = array<i32>} : memref<128x64xf32, #tpu.memory_space<vmem>>, vector<1x16xf32>,
        %get3A_332 = vector.shape_cast %get3A_331 : vector<1x16xf32> to vector<16xf32>
        %sub3A_333 = arith.subf %get3A_328, %get3A_332 : vector<16xf32>
        %mul3A_334 = arith.mulf %sub3A_333, %sub3A_333 : vector<16xf32>
        %add3A_335 = arith.addf %add3A_243, %mul3A_334 : vector<16xf32>
        scf.yield %add3A_258, %add3A_280, %add3A_302, %add3A_324, %add3A_269, %add3A_291, %add3A_313, %add3A_335 : vector<16xf32>, vector<16xf32>, vector<16xf32>, vector<16xf32>, vector<16xf32>, vector<16xf32>, vector<16xf32>, vector<16xf32>
      }
      %scan3A_107 = arith.constant 64 : i32
      %lt3A = arith.constant 49 : i32
      %lt3A_108 = arith.cmpi slt, %scan3A_38, %lt3A : i32
      %convert_element_type3A = arith.extui %lt3A_108 : i1 to i32
      %cond3A = arith.constant 0 : i32
      %cond3A_109 = arith.cmpi ne, %convert_element_type3A, %cond3A : i32
      scf.if %cond3A_109 {
        %mul3A_145 = arith.constant 2 : i32
        %mul3A_146 = arith.muli %mul3A_145, %scan3A_38 : i32
        %add3A_147 = arith.constant 2 : i32
        %add3A_148 = arith.addi %mul3A_146, %add3A_147 : i32
        %mul3A_149 = arith.constant 4096 : i32
        %mul3A_150 = arith.muli %add3A_148, %mul3A_149 : i32
        %add3A_151 = arith.addi %mul3A_150, %mul3A_2 : i32
        %dma_start3A_152 = arith.constant 0 : i32
        %dma_start3A_153 = tpu.memref_slice %arg2[%add3A_151, %dma_start3A_152] : memref<409600x128xf32, #tpu.memory_space<hbm>> -> memref<128x128xf32, #tpu.memory_space<hbm>>
        %dma_start3A_154 = arith.constant 0 : i32
        %dma_start3A_155 = tpu.memref_slice %arg2[%add3A_151, %dma_start3A_154] : memref<409600x128xf32, #tpu.memory_space<hbm>> -> memref<128x128xf32, #tpu.memory_space<hbm>>
        tpu.enqueue_dma source(%dma_start3A_155 : memref<128x128xf32, #tpu.memory_space<hbm>>) target(%arg7 : memref<128x128xf32, #tpu.memory_space<vmem>>) target_semaphore(%arg14 : memref<!tpu.dma_semaphore, #tpu.memory_space<semaphore_mem>>)
        %mul3A_156 = arith.constant 2 : i32
        %mul3A_157 = arith.muli %mul3A_156, %add3A_148 : i32
        %dma_start3A_158 = arith.constant 0 : i32
        %dma_start3A_159 = tpu.memref_slice %arg6[%mul3A_157, %dma_start3A_158] : memref<200x128xi32, #tpu.memory_space<vmem>> -> memref<1x128xi32, #tpu.memory_space<vmem>>
        %dma_start3A_160 = tpu.memref_squeeze %dma_start3A_159 : memref<1x128xi32, #tpu.memory_space<vmem>> -> memref<128xi32, #tpu.memory_space<vmem>>
        %dma_start3A_161 = arith.constant 0 : i32
        %dma_start3A_162 = arith.constant 0 : i32
        %dma_start3A_163 = tpu.memref_slice %arg4[%dma_start3A_161, %dma_start3A_162] : memref<1000000x64xf32, #tpu.memory_space<hbm>> -> memref<1000000x64xf32, #tpu.memory_space<hbm>>
        tpu.enqueue_indirect_dma source(%dma_start3A_163 : memref<1000000x64xf32, #tpu.memory_space<hbm>>) target(%arg9 : memref<128x64xf32, #tpu.memory_space<vmem>>) offsets(%dma_start3A_160 : memref<128xi32, #tpu.memory_space<vmem>>) semaphore(%arg16 : memref<!tpu.dma_semaphore, #tpu.memory_space<semaphore_mem>>)
        %mul3A_164 = arith.constant 2 : i32
        %mul3A_165 = arith.muli %mul3A_164, %add3A_148 : i32
        %add3A_166 = arith.constant 1 : i32
        %add3A_167 = arith.addi %mul3A_165, %add3A_166 : i32
        %dma_start3A_168 = arith.constant 0 : i32
        %dma_start3A_169 = tpu.memref_slice %arg6[%add3A_167, %dma_start3A_168] : memref<200x128xi32, #tpu.memory_space<vmem>> -> memref<1x128xi32, #tpu.memory_space<vmem>>
        %dma_start3A_170 = tpu.memref_squeeze %dma_start3A_169 : memref<1x128xi32, #tpu.memory_space<vmem>> -> memref<128xi32, #tpu.memory_space<vmem>>
        %dma_start3A_171 = arith.constant 0 : i32
        %dma_start3A_172 = arith.constant 0 : i32
        %dma_start3A_173 = tpu.memref_slice %arg4[%dma_start3A_171, %dma_start3A_172] : memref<1000000x64xf32, #tpu.memory_space<hbm>> -> memref<1000000x64xf32, #tpu.memory_space<hbm>>
        tpu.enqueue_indirect_dma source(%dma_start3A_173 : memref<1000000x64xf32, #tpu.memory_space<hbm>>) target(%arg11 : memref<128x64xf32, #tpu.memory_space<vmem>>) offsets(%dma_start3A_170 : memref<128xi32, #tpu.memory_space<vmem>>) semaphore(%arg18 : memref<!tpu.dma_semaphore, #tpu.memory_space<semaphore_mem>>)
      } else {
      }
      %mul3A_110 = arith.constant 2 : i32
      %mul3A_111 = arith.muli %mul3A_110, %scan3A_38 : i32
      %add3A_112 = arith.constant 1 : i32
      %add3A_113 = arith.addi %mul3A_111, %add3A_112 : i32
      %mul3A_114 = arith.constant 4096 : i32
      %mul3A_115 = arith.muli %add3A_113, %mul3A_114 : i32
      %add3A_116 = arith.addi %mul3A_115, %mul3A_2 : i32
      %dma_wait3A_117 = arith.constant 0 : i32
      %dma_wait3A_118 = tpu.memref_slice %arg2[%add3A_116, %dma_wait3A_117] : memref<409600x128xf32, #tpu.memory_space<hbm>> -> memref<128x128xf32, #tpu.memory_space<hbm>>
      %dma_wait3A_119 = arith.constant 0 : i32
      %dma_wait3A_120 = tpu.memref_slice %arg2[%add3A_116, %dma_wait3A_119] : memref<409600x128xf32, #tpu.memory_space<hbm>> -> memref<128x128xf32, #tpu.memory_space<hbm>>
      tpu.wait_dma2 semaphore(%arg15 : memref<!tpu.dma_semaphore, #tpu.memory_space<semaphore_mem>>) src(%dma_wait3A_120 : memref<128x128xf32, #tpu.memory_space<hbm>>) dst(%arg8 : memref<128x128xf32, #tpu.memory_space<vmem>>)
      %mul3A_121 = arith.constant 2 : i32
      %mul3A_122 = arith.muli %mul3A_121, %add3A_113 : i32
      %dma_wait3A_123 = arith.constant 0 : i32
      %dma_wait3A_124 = tpu.memref_slice %arg6[%mul3A_122, %dma_wait3A_123] : memref<200x128xi32, #tpu.memory_space<vmem>> -> memref<1x128xi32, #tpu.memory_space<vmem>>
      %dma_wait3A_125 = tpu.memref_squeeze %dma_wait3A_124 : memref<1x128xi32, #tpu.memory_space<vmem>> -> memref<128xi32, #tpu.memory_space<vmem>>
      %dma_wait3A_126 = arith.constant 0 : i32
      %dma_wait3A_127 = arith.constant 0 : i32
      %dma_wait3A_128 = tpu.memref_slice %arg4[%dma_wait3A_126, %dma_wait3A_127] : memref<1000000x64xf32, #tpu.memory_space<hbm>> -> memref<1000000x64xf32, #tpu.memory_space<hbm>>
      tpu.wait_indirect_dma semaphore(%arg17 : memref<!tpu.dma_semaphore, #tpu.memory_space<semaphore_mem>>) src(%dma_wait3A_128 : memref<1000000x64xf32, #tpu.memory_space<hbm>>) dst(%arg10 : memref<128x64xf32, #tpu.memory_space<vmem>>)
      %mul3A_129 = arith.constant 2 : i32
      %mul3A_130 = arith.muli %mul3A_129, %add3A_113 : i32
      %add3A_131 = arith.constant 1 : i32
      %add3A_132 = arith.addi %mul3A_130, %add3A_131 : i32
      %dma_wait3A_133 = arith.constant 0 : i32
      %dma_wait3A_134 = tpu.memref_slice %arg6[%add3A_132, %dma_wait3A_133] : memref<200x128xi32, #tpu.memory_space<vmem>> -> memref<1x128xi32, #tpu.memory_space<vmem>>
      %dma_wait3A_135 = tpu.memref_squeeze %dma_wait3A_134 : memref<1x128xi32, #tpu.memory_space<vmem>> -> memref<128xi32, #tpu.memory_space<vmem>>
      %dma_wait3A_136 = arith.constant 0 : i32
      %dma_wait3A_137 = arith.constant 0 : i32
      %dma_wait3A_138 = tpu.memref_slice %arg4[%dma_wait3A_136, %dma_wait3A_137] : memref<1000000x64xf32, #tpu.memory_space<hbm>> -> memref<1000000x64xf32, #tpu.memory_space<hbm>>
      tpu.wait_indirect_dma semaphore(%arg19 : memref<!tpu.dma_semaphore, #tpu.memory_space<semaphore_mem>>) src(%dma_wait3A_138 : memref<1000000x64xf32, #tpu.memory_space<hbm>>) dst(%arg12 : memref<128x64xf32, #tpu.memory_space<vmem>>)
      %scan3A_139 = arith.constant 0 : i32
      %scan3A_140 = arith.constant 64 : i32
      %scan3A_141 = arith.addi %scan3A_139, %scan3A_140 : i32
      %scan3A_142 = arith.constant 1 : i32
      %scan3A_143:8 = scf.for %scan3A_145 = %scan3A_139 to %scan3A_141 step %scan3A_142 iter_args(%scan3A_146 = %scan3A_106#0, %scan3A_147 = %scan3A_106#1, %scan3A_148 = %scan3A_106#2, %scan3A_149 = %scan3A_106#3, %scan3A_150 = %scan3A_106#4, %scan3A_151 = %scan3A_106#5, %scan3A_152 = %scan3A_106#6, %scan3A_153 = %scan3A_106#7) -> (vector<16xf32>, vector<16xf32>, vector<16xf32>, vector<16xf32>, vector<16xf32>, vector<16xf32>, vector<16xf32>, vector<16xf32>)  : i32 {
        %mul3A_154 = arith.constant 2 : i32
        %mul3A_155 = arith.muli %scan3A_145, %mul3A_154 : i32
        %add3A_156 = arith.constant 0 : i32
        %add3A_157 = arith.addi %mul3A_155, %add3A_156 : i32
        %get3A = arith.index_cast %add3A_157 : i32 to index
        %get3A_158 = arith.constant 0 : index
        %get3A_159 = tpu.vector_load %arg8[%get3A, %get3A_158] {strides = array<i32>} : memref<128x128xf32, #tpu.memory_space<vmem>>, vector<1x16xf32>,
        %get3A_160 = vector.shape_cast %get3A_159 : vector<1x16xf32> to vector<16xf32>
        %get3A_161 = arith.index_cast %add3A_157 : i32 to index
        %get3A_162 = arith.constant 0 : index
        %get3A_163 = tpu.vector_load %arg10[%get3A_161, %get3A_162] {strides = array<i32>} : memref<128x64xf32, #tpu.memory_space<vmem>>, vector<1x16xf32>,
        %get3A_164 = vector.shape_cast %get3A_163 : vector<1x16xf32> to vector<16xf32>
        %sub3A = arith.subf %get3A_160, %get3A_164 : vector<16xf32>
        %mul3A_165 = arith.mulf %sub3A, %sub3A : vector<16xf32>
        %add3A_166 = arith.addf %scan3A_146, %mul3A_165 : vector<16xf32>
        %get3A_167 = arith.index_cast %add3A_157 : i32 to index
        %get3A_168 = arith.constant 64 : index
        %get3A_169 = tpu.vector_load %arg8[%get3A_167, %get3A_168] {strides = array<i32>} : memref<128x128xf32, #tpu.memory_space<vmem>>, vector<1x16xf32>,
        %get3A_170 = vector.shape_cast %get3A_169 : vector<1x16xf32> to vector<16xf32>
        %get3A_171 = arith.index_cast %add3A_157 : i32 to index
        %get3A_172 = arith.constant 0 : index
        %get3A_173 = tpu.vector_load %arg12[%get3A_171, %get3A_172] {strides = array<i32>} : memref<128x64xf32, #tpu.memory_space<vmem>>, vector<1x16xf32>,
        %get3A_174 = vector.shape_cast %get3A_173 : vector<1x16xf32> to vector<16xf32>
        %sub3A_175 = arith.subf %get3A_170, %get3A_174 : vector<16xf32>
        %mul3A_176 = arith.mulf %sub3A_175, %sub3A_175 : vector<16xf32>
        %add3A_177 = arith.addf %scan3A_150, %mul3A_176 : vector<16xf32>
        %get3A_178 = arith.index_cast %add3A_157 : i32 to index
        %get3A_179 = arith.constant 16 : index
        %get3A_180 = tpu.vector_load %arg8[%get3A_178, %get3A_179] {strides = array<i32>} : memref<128x128xf32, #tpu.memory_space<vmem>>, vector<1x16xf32>,
        %get3A_181 = vector.shape_cast %get3A_180 : vector<1x16xf32> to vector<16xf32>
        %get3A_182 = arith.index_cast %add3A_157 : i32 to index
        %get3A_183 = arith.constant 16 : index
        %get3A_184 = tpu.vector_load %arg10[%get3A_182, %get3A_183] {strides = array<i32>} : memref<128x64xf32, #tpu.memory_space<vmem>>, vector<1x16xf32>,
        %get3A_185 = vector.shape_cast %get3A_184 : vector<1x16xf32> to vector<16xf32>
        %sub3A_186 = arith.subf %get3A_181, %get3A_185 : vector<16xf32>
        %mul3A_187 = arith.mulf %sub3A_186, %sub3A_186 : vector<16xf32>
        %add3A_188 = arith.addf %scan3A_147, %mul3A_187 : vector<16xf32>
        %get3A_189 = arith.index_cast %add3A_157 : i32 to index
        %get3A_190 = arith.constant 80 : index
        %get3A_191 = tpu.vector_load %arg8[%get3A_189, %get3A_190] {strides = array<i32>} : memref<128x128xf32, #tpu.memory_space<vmem>>, vector<1x16xf32>,
        %get3A_192 = vector.shape_cast %get3A_191 : vector<1x16xf32> to vector<16xf32>
        %get3A_193 = arith.index_cast %add3A_157 : i32 to index
        %get3A_194 = arith.constant 16 : index
        %get3A_195 = tpu.vector_load %arg12[%get3A_193, %get3A_194] {strides = array<i32>} : memref<128x64xf32, #tpu.memory_space<vmem>>, vector<1x16xf32>,
        %get3A_196 = vector.shape_cast %get3A_195 : vector<1x16xf32> to vector<16xf32>
        %sub3A_197 = arith.subf %get3A_192, %get3A_196 : vector<16xf32>
        %mul3A_198 = arith.mulf %sub3A_197, %sub3A_197 : vector<16xf32>
        %add3A_199 = arith.addf %scan3A_151, %mul3A_198 : vector<16xf32>
        %get3A_200 = arith.index_cast %add3A_157 : i32 to index
        %get3A_201 = arith.constant 32 : index
        %get3A_202 = tpu.vector_load %arg8[%get3A_200, %get3A_201] {strides = array<i32>} : memref<128x128xf32, #tpu.memory_space<vmem>>, vector<1x16xf32>,
        %get3A_203 = vector.shape_cast %get3A_202 : vector<1x16xf32> to vector<16xf32>
        %get3A_204 = arith.index_cast %add3A_157 : i32 to index
        %get3A_205 = arith.constant 32 : index
        %get3A_206 = tpu.vector_load %arg10[%get3A_204, %get3A_205] {strides = array<i32>} : memref<128x64xf32, #tpu.memory_space<vmem>>, vector<1x16xf32>,
        %get3A_207 = vector.shape_cast %get3A_206 : vector<1x16xf32> to vector<16xf32>
        %sub3A_208 = arith.subf %get3A_203, %get3A_207 : vector<16xf32>
        %mul3A_209 = arith.mulf %sub3A_208, %sub3A_208 : vector<16xf32>
        %add3A_210 = arith.addf %scan3A_148, %mul3A_209 : vector<16xf32>
        %get3A_211 = arith.index_cast %add3A_157 : i32 to index
        %get3A_212 = arith.constant 96 : index
        %get3A_213 = tpu.vector_load %arg8[%get3A_211, %get3A_212] {strides = array<i32>} : memref<128x128xf32, #tpu.memory_space<vmem>>, vector<1x16xf32>,
        %get3A_214 = vector.shape_cast %get3A_213 : vector<1x16xf32> to vector<16xf32>
        %get3A_215 = arith.index_cast %add3A_157 : i32 to index
        %get3A_216 = arith.constant 32 : index
        %get3A_217 = tpu.vector_load %arg12[%get3A_215, %get3A_216] {strides = array<i32>} : memref<128x64xf32, #tpu.memory_space<vmem>>, vector<1x16xf32>,
        %get3A_218 = vector.shape_cast %get3A_217 : vector<1x16xf32> to vector<16xf32>
        %sub3A_219 = arith.subf %get3A_214, %get3A_218 : vector<16xf32>
        %mul3A_220 = arith.mulf %sub3A_219, %sub3A_219 : vector<16xf32>
        %add3A_221 = arith.addf %scan3A_152, %mul3A_220 : vector<16xf32>
        %get3A_222 = arith.index_cast %add3A_157 : i32 to index
        %get3A_223 = arith.constant 48 : index
        %get3A_224 = tpu.vector_load %arg8[%get3A_222, %get3A_223] {strides = array<i32>} : memref<128x128xf32, #tpu.memory_space<vmem>>, vector<1x16xf32>,
        %get3A_225 = vector.shape_cast %get3A_224 : vector<1x16xf32> to vector<16xf32>
        %get3A_226 = arith.index_cast %add3A_157 : i32 to index
        %get3A_227 = arith.constant 48 : index
        %get3A_228 = tpu.vector_load %arg10[%get3A_226, %get3A_227] {strides = array<i32>} : memref<128x64xf32, #tpu.memory_space<vmem>>, vector<1x16xf32>,
        %get3A_229 = vector.shape_cast %get3A_228 : vector<1x16xf32> to vector<16xf32>
        %sub3A_230 = arith.subf %get3A_225, %get3A_229 : vector<16xf32>
        %mul3A_231 = arith.mulf %sub3A_230, %sub3A_230 : vector<16xf32>
        %add3A_232 = arith.addf %scan3A_149, %mul3A_231 : vector<16xf32>
        %get3A_233 = arith.index_cast %add3A_157 : i32 to index
        %get3A_234 = arith.constant 112 : index
        %get3A_235 = tpu.vector_load %arg8[%get3A_233, %get3A_234] {strides = array<i32>} : memref<128x128xf32, #tpu.memory_space<vmem>>, vector<1x16xf32>,
        %get3A_236 = vector.shape_cast %get3A_235 : vector<1x16xf32> to vector<16xf32>
        %get3A_237 = arith.index_cast %add3A_157 : i32 to index
        %get3A_238 = arith.constant 48 : index
        %get3A_239 = tpu.vector_load %arg12[%get3A_237, %get3A_238] {strides = array<i32>} : memref<128x64xf32, #tpu.memory_space<vmem>>, vector<1x16xf32>,
        %get3A_240 = vector.shape_cast %get3A_239 : vector<1x16xf32> to vector<16xf32>
        %sub3A_241 = arith.subf %get3A_236, %get3A_240 : vector<16xf32>
        %mul3A_242 = arith.mulf %sub3A_241, %sub3A_241 : vector<16xf32>
        %add3A_243 = arith.addf %scan3A_153, %mul3A_242 : vector<16xf32>
        %mul3A_244 = arith.constant 2 : i32
        %mul3A_245 = arith.muli %scan3A_145, %mul3A_244 : i32
        %add3A_246 = arith.constant 1 : i32
        %add3A_247 = arith.addi %mul3A_245, %add3A_246 : i32
        %get3A_248 = arith.index_cast %add3A_247 : i32 to index
        %get3A_249 = arith.constant 0 : index
        %get3A_250 = tpu.vector_load %arg8[%get3A_248, %get3A_249] {strides = array<i32>} : memref<128x128xf32, #tpu.memory_space<vmem>>, vector<1x16xf32>,
        %get3A_251 = vector.shape_cast %get3A_250 : vector<1x16xf32> to vector<16xf32>
        %get3A_252 = arith.index_cast %add3A_247 : i32 to index
        %get3A_253 = arith.constant 0 : index
        %get3A_254 = tpu.vector_load %arg10[%get3A_252, %get3A_253] {strides = array<i32>} : memref<128x64xf32, #tpu.memory_space<vmem>>, vector<1x16xf32>,
        %get3A_255 = vector.shape_cast %get3A_254 : vector<1x16xf32> to vector<16xf32>
        %sub3A_256 = arith.subf %get3A_251, %get3A_255 : vector<16xf32>
        %mul3A_257 = arith.mulf %sub3A_256, %sub3A_256 : vector<16xf32>
        %add3A_258 = arith.addf %add3A_166, %mul3A_257 : vector<16xf32>
        %get3A_259 = arith.index_cast %add3A_247 : i32 to index
        %get3A_260 = arith.constant 64 : index
        %get3A_261 = tpu.vector_load %arg8[%get3A_259, %get3A_260] {strides = array<i32>} : memref<128x128xf32, #tpu.memory_space<vmem>>, vector<1x16xf32>,
        %get3A_262 = vector.shape_cast %get3A_261 : vector<1x16xf32> to vector<16xf32>
        %get3A_263 = arith.index_cast %add3A_247 : i32 to index
        %get3A_264 = arith.constant 0 : index
        %get3A_265 = tpu.vector_load %arg12[%get3A_263, %get3A_264] {strides = array<i32>} : memref<128x64xf32, #tpu.memory_space<vmem>>, vector<1x16xf32>,
        %get3A_266 = vector.shape_cast %get3A_265 : vector<1x16xf32> to vector<16xf32>
        %sub3A_267 = arith.subf %get3A_262, %get3A_266 : vector<16xf32>
        %mul3A_268 = arith.mulf %sub3A_267, %sub3A_267 : vector<16xf32>
        %add3A_269 = arith.addf %add3A_177, %mul3A_268 : vector<16xf32>
        %get3A_270 = arith.index_cast %add3A_247 : i32 to index
        %get3A_271 = arith.constant 16 : index
        %get3A_272 = tpu.vector_load %arg8[%get3A_270, %get3A_271] {strides = array<i32>} : memref<128x128xf32, #tpu.memory_space<vmem>>, vector<1x16xf32>,
        %get3A_273 = vector.shape_cast %get3A_272 : vector<1x16xf32> to vector<16xf32>
        %get3A_274 = arith.index_cast %add3A_247 : i32 to index
        %get3A_275 = arith.constant 16 : index
        %get3A_276 = tpu.vector_load %arg10[%get3A_274, %get3A_275] {strides = array<i32>} : memref<128x64xf32, #tpu.memory_space<vmem>>, vector<1x16xf32>,
        %get3A_277 = vector.shape_cast %get3A_276 : vector<1x16xf32> to vector<16xf32>
        %sub3A_278 = arith.subf %get3A_273, %get3A_277 : vector<16xf32>
        %mul3A_279 = arith.mulf %sub3A_278, %sub3A_278 : vector<16xf32>
        %add3A_280 = arith.addf %add3A_188, %mul3A_279 : vector<16xf32>
        %get3A_281 = arith.index_cast %add3A_247 : i32 to index
        %get3A_282 = arith.constant 80 : index
        %get3A_283 = tpu.vector_load %arg8[%get3A_281, %get3A_282] {strides = array<i32>} : memref<128x128xf32, #tpu.memory_space<vmem>>, vector<1x16xf32>,
        %get3A_284 = vector.shape_cast %get3A_283 : vector<1x16xf32> to vector<16xf32>
        %get3A_285 = arith.index_cast %add3A_247 : i32 to index
        %get3A_286 = arith.constant 16 : index
        %get3A_287 = tpu.vector_load %arg12[%get3A_285, %get3A_286] {strides = array<i32>} : memref<128x64xf32, #tpu.memory_space<vmem>>, vector<1x16xf32>,
        %get3A_288 = vector.shape_cast %get3A_287 : vector<1x16xf32> to vector<16xf32>
        %sub3A_289 = arith.subf %get3A_284, %get3A_288 : vector<16xf32>
        %mul3A_290 = arith.mulf %sub3A_289, %sub3A_289 : vector<16xf32>
        %add3A_291 = arith.addf %add3A_199, %mul3A_290 : vector<16xf32>
        %get3A_292 = arith.index_cast %add3A_247 : i32 to index
        %get3A_293 = arith.constant 32 : index
        %get3A_294 = tpu.vector_load %arg8[%get3A_292, %get3A_293] {strides = array<i32>} : memref<128x128xf32, #tpu.memory_space<vmem>>, vector<1x16xf32>,
        %get3A_295 = vector.shape_cast %get3A_294 : vector<1x16xf32> to vector<16xf32>
        %get3A_296 = arith.index_cast %add3A_247 : i32 to index
        %get3A_297 = arith.constant 32 : index
        %get3A_298 = tpu.vector_load %arg10[%get3A_296, %get3A_297] {strides = array<i32>} : memref<128x64xf32, #tpu.memory_space<vmem>>, vector<1x16xf32>,
        %get3A_299 = vector.shape_cast %get3A_298 : vector<1x16xf32> to vector<16xf32>
        %sub3A_300 = arith.subf %get3A_295, %get3A_299 : vector<16xf32>
        %mul3A_301 = arith.mulf %sub3A_300, %sub3A_300 : vector<16xf32>
        %add3A_302 = arith.addf %add3A_210, %mul3A_301 : vector<16xf32>
        %get3A_303 = arith.index_cast %add3A_247 : i32 to index
        %get3A_304 = arith.constant 96 : index
        %get3A_305 = tpu.vector_load %arg8[%get3A_303, %get3A_304] {strides = array<i32>} : memref<128x128xf32, #tpu.memory_space<vmem>>, vector<1x16xf32>,
        %get3A_306 = vector.shape_cast %get3A_305 : vector<1x16xf32> to vector<16xf32>
        %get3A_307 = arith.index_cast %add3A_247 : i32 to index
        %get3A_308 = arith.constant 32 : index
        %get3A_309 = tpu.vector_load %arg12[%get3A_307, %get3A_308] {strides = array<i32>} : memref<128x64xf32, #tpu.memory_space<vmem>>, vector<1x16xf32>,
        %get3A_310 = vector.shape_cast %get3A_309 : vector<1x16xf32> to vector<16xf32>
        %sub3A_311 = arith.subf %get3A_306, %get3A_310 : vector<16xf32>
        %mul3A_312 = arith.mulf %sub3A_311, %sub3A_311 : vector<16xf32>
        %add3A_313 = arith.addf %add3A_221, %mul3A_312 : vector<16xf32>
        %get3A_314 = arith.index_cast %add3A_247 : i32 to index
        %get3A_315 = arith.constant 48 : index
        %get3A_316 = tpu.vector_load %arg8[%get3A_314, %get3A_315] {strides = array<i32>} : memref<128x128xf32, #tpu.memory_space<vmem>>, vector<1x16xf32>,
        %get3A_317 = vector.shape_cast %get3A_316 : vector<1x16xf32> to vector<16xf32>
        %get3A_318 = arith.index_cast %add3A_247 : i32 to index
        %get3A_319 = arith.constant 48 : index
        %get3A_320 = tpu.vector_load %arg10[%get3A_318, %get3A_319] {strides = array<i32>} : memref<128x64xf32, #tpu.memory_space<vmem>>, vector<1x16xf32>,
        %get3A_321 = vector.shape_cast %get3A_320 : vector<1x16xf32> to vector<16xf32>
        %sub3A_322 = arith.subf %get3A_317, %get3A_321 : vector<16xf32>
        %mul3A_323 = arith.mulf %sub3A_322, %sub3A_322 : vector<16xf32>
        %add3A_324 = arith.addf %add3A_232, %mul3A_323 : vector<16xf32>
        %get3A_325 = arith.index_cast %add3A_247 : i32 to index
        %get3A_326 = arith.constant 112 : index
        %get3A_327 = tpu.vector_load %arg8[%get3A_325, %get3A_326] {strides = array<i32>} : memref<128x128xf32, #tpu.memory_space<vmem>>, vector<1x16xf32>,
        %get3A_328 = vector.shape_cast %get3A_327 : vector<1x16xf32> to vector<16xf32>
        %get3A_329 = arith.index_cast %add3A_247 : i32 to index
        %get3A_330 = arith.constant 48 : index
        %get3A_331 = tpu.vector_load %arg12[%get3A_329, %get3A_330] {strides = array<i32>} : memref<128x64xf32, #tpu.memory_space<vmem>>, vector<1x16xf32>,
        %get3A_332 = vector.shape_cast %get3A_331 : vector<1x16xf32> to vector<16xf32>
        %sub3A_333 = arith.subf %get3A_328, %get3A_332 : vector<16xf32>
        %mul3A_334 = arith.mulf %sub3A_333, %sub3A_333 : vector<16xf32>
        %add3A_335 = arith.addf %add3A_243, %mul3A_334 : vector<16xf32>
        scf.yield %add3A_258, %add3A_280, %add3A_302, %add3A_324, %add3A_269, %add3A_291, %add3A_313, %add3A_335 : vector<16xf32>, vector<16xf32>, vector<16xf32>, vector<16xf32>, vector<16xf32>, vector<16xf32>, vector<16xf32>, vector<16xf32>
      }
      %scan3A_144 = arith.constant 64 : i32
      scf.yield %scan3A_143#0, %scan3A_143#1, %scan3A_143#2, %scan3A_143#3, %scan3A_143#4, %scan3A_143#5, %scan3A_143#6, %scan3A_143#7 : vector<16xf32>, vector<16xf32>, vector<16xf32>, vector<16xf32>, vector<16xf32>, vector<16xf32>, vector<16xf32>, vector<16xf32>
    }
    %scan3A_27 = arith.constant 50 : i32
    %add3A_28 = arith.addf %scan3A_26#0, %scan3A_26#1 : vector<16xf32>
    %add3A_29 = arith.addf %scan3A_26#2, %scan3A_26#3 : vector<16xf32>
    %add3A_30 = arith.addf %add3A_28, %add3A_29 : vector<16xf32>
    %add3A_31 = arith.addf %scan3A_26#4, %scan3A_26#5 : vector<16xf32>
    %add3A_32 = arith.addf %scan3A_26#6, %scan3A_26#7 : vector<16xf32>
    %add3A_33 = arith.addf %add3A_31, %add3A_32 : vector<16xf32>
    %add3A_34 = arith.addf %add3A_30, %add3A_33 : vector<16xf32>
    %swap3A = arith.constant 0 : index
    %swap3A_35 = tpu.vector_load %arg13[%swap3A] {strides = array<i32>} : memref<16xf32, #tpu.memory_space<vmem>>, vector<16xf32>,
    %swap3A_36 = vector.shape_cast %swap3A_35 : vector<16xf32> to vector<16xf32>
    %swap3A_37 = vector.shape_cast %add3A_34 : vector<16xf32> to vector<16xf32>
    tpu.vector_store %arg13[%swap3A], %swap3A_37 {strides = array<i32>} : memref<16xf32, #tpu.memory_space<vmem>>, vector<16xf32>,
    "tpu.region"() ({
      %run_scoped3A = tpu.sem_alloc : memref<!tpu.dma_semaphore, #tpu.memory_space<semaphore_mem>>
      %dma_start3A_38 = arith.constant 0 : i32
      %dma_start3A_39 = tpu.memref_slice %arg5[%add3A, %dma_start3A_38] : memref<32x16xf32, #tpu.memory_space<hbm>> -> memref<1x16xf32, #tpu.memory_space<hbm>>
      %dma_start3A_40 = tpu.memref_squeeze %dma_start3A_39 : memref<1x16xf32, #tpu.memory_space<hbm>> -> memref<16xf32, #tpu.memory_space<hbm>>
      %dma_start3A_41 = arith.constant 0 : i32
      %dma_start3A_42 = tpu.memref_slice %arg5[%add3A, %dma_start3A_41] : memref<32x16xf32, #tpu.memory_space<hbm>> -> memref<1x16xf32, #tpu.memory_space<hbm>>
      %dma_start3A_43 = tpu.memref_squeeze %dma_start3A_42 : memref<1x16xf32, #tpu.memory_space<hbm>> -> memref<16xf32, #tpu.memory_space<hbm>>
      tpu.enqueue_dma source(%arg13 : memref<16xf32, #tpu.memory_space<vmem>>) target(%dma_start3A_43 : memref<16xf32, #tpu.memory_space<hbm>>) target_semaphore(%run_scoped3A : memref<!tpu.dma_semaphore, #tpu.memory_space<semaphore_mem>>)
      %dma_wait3A = arith.constant 0 : i32
      %dma_wait3A_44 = tpu.memref_slice %arg5[%add3A, %dma_wait3A] : memref<32x16xf32, #tpu.memory_space<hbm>> -> memref<1x16xf32, #tpu.memory_space<hbm>>
      %dma_wait3A_45 = tpu.memref_squeeze %dma_wait3A_44 : memref<1x16xf32, #tpu.memory_space<hbm>> -> memref<16xf32, #tpu.memory_space<hbm>>
      %dma_wait3A_46 = arith.constant 0 : i32
      %dma_wait3A_47 = tpu.memref_slice %arg5[%add3A, %dma_wait3A_46] : memref<32x16xf32, #tpu.memory_space<hbm>> -> memref<1x16xf32, #tpu.memory_space<hbm>>
      %dma_wait3A_48 = tpu.memref_squeeze %dma_wait3A_47 : memref<1x16xf32, #tpu.memory_space<hbm>> -> memref<16xf32, #tpu.memory_space<hbm>>
      tpu.wait_dma2 semaphore(%run_scoped3A : memref<!tpu.dma_semaphore, #tpu.memory_space<semaphore_mem>>) src(%arg13 : memref<16xf32, #tpu.memory_space<vmem>>) dst(%dma_wait3A_48 : memref<16xf32, #tpu.memory_space<hbm>>)
      tpu.yield
    }) : () -> ()
    return
  }
}

</mosaic_0001>

<sc_bundles>
// kernel: kernel.3.cloned.1.call-start
scs
__scs_entry_jumppad:
0x0: {  	(pc) =	sbr.rel $0x88, $3  }
0x1: {  	(tag) =	ssettag $0x0;
	lr =	simm.s32 $0x1  }
0x2: {  	[smem:$0x3F9E] =	sst lr;
	_ =	strace $0xD0000000  }
0x3: {  	_ = 	snop  }
0x4: {  	_ = 	snop  }
0x5: {  	_ = 	snop  }
0x6: {  	_ = 	snop  }
0x7: {  	_ = 	snop  }
__scs_overlays_trampoline_lowered:
0x8: {  	[smem:$0x3FAD] =	sst s0  }
0x9: {  	[smem:$0x3FAE] =	sst s1  }
0xa: {  	[smem:$0x3FAF] =	sst s2  }
0xb: {  	[smem:$0x3FB0] =	sst s3  }
0xc: {  	[smem:$0x3FB1] =	sst s4  }
0xd: {  	[smem:$0x3FB2] =	sst s5  }
0xe: {  	[smem:$0x3FB3] =	sst s6  }
0xf: {  	[smem:$0x3FB4] =	sst s7  }
0x10: {  	[smem:$0x3FB5] =	sst s8  }
0x11: {  	[smem:$0x3FB6] =	sst s9;
	s0 =	simm.s32 @!p0 $0x0  }
0x12: {  	s1 =	sld [smem:$0x3F9C];
	s0 =	simm.s32 @p0 $0x1  }
0x13: {  	[smem:$0x3FB7] =	sst s0;
	s0 =	simm.s32 @!p1 $0x0  }
0x14: {  	s2 =	sld [smem:$0x3F9B];
	s0 =	simm.s32 @p1 $0x1  }
0x15: {  	[smem:$0x3FB8] =	sst s0;
	s0 =	simm.s32 @!p2 $0x0  }
0x16: {  	s3 =	sld [smem:$0x3FDB];
	s0 =	simm.s32 @p2 $0x1  }
0x17: {  	s4 =	simm.s32 $0x1BF5;
	[smem:$0x3FBA] =	sst s0  }
0x18: {  	s0 =	sld [smem:$0x3F9D];
	_ =	swait.ge [sflag:s4], $0x0  }
0x19: {  	s7 =	sld [smem:$0x3F9E]  }
0x1a: {  	s8 =	sadd.s32 $0xFFFFE003, lr  }
0x1b: {  	s9 =	sadd.s32 $0xFFFFFEF7, lr;
	s5 =	simm.s32 $0xFFFFFFFF;
	p2 =	slt.u32 s8, $0xFFFFF086  }
0x1c: {  	p1 =	slt.u32 s9, $0xF7A;
	s5 =	simm.s32 @!p2 $0x0  }
0x1d: {  	s5 =	simm.s32 @p1 $0x1;
	p0 =	seq.s32 s7, s2  }
0x1e: {  	s7 =	smul.u32 @!p0 $0xF7A, s2;
	p2 =	seq.s32 @!p0 s5, $0x0  }
0x1f: {  	s9 =	smul.u32 $0xF7A, s1;
	s8 =	simm.s32 @!p0 $0x1BF5;
	p2 =	por !p2, p0  }
0x20: {  	[sflag:s8] =	ssyncset.s32 @!p0 $0xFFFFF086;
	s6 =	sadd.s32 @!p0 s3, s7;
	s7 =	simm.s32 @!p0 $0x108  }
0x21: {  	s3 =	sadd.s32 s3, s9;
	s6 =	sadd.s32 @!p0 $0x88, s6;
	s7 =	simm.s32 @p2 $0x1082  }
0x22: {  	[simem:s7], [sflag:s8] =	dma.local @!p0 [hbm:s6], $0xF7A  }
0x23: {  	s9 =	sor.u32 $0xD0000000, s2;
	s6 =	simm.s32 $0x108;
	_ =	swait.ge @!p0 [sflag:s8], $0x0  }
0x24: {  	s3 =	sadd.s32 $0x88, s3;
	s6 =	simm.s32 @!p1 $0x1082;
	[sflag:s4] =	ssyncset.s32 $0xFFFFF086  }
0x25: {  	[simem:s6], [sflag:s4] =	dma.local [hbm:s3], $0xF7A  }
0x26: {  	[smem:$0x3F9E] =	sst s1;
	(tag) =	ssettag s2;
	_ =	strace s9  }
0x27: {  	s1 =	sld [smem:$0x3FAE]  }
0x28: {  	s2 =	sld [smem:$0x3FAF]  }
0x29: {  	s4 =	sld [smem:$0x3FB1]  }
0x2a: {  	p0 =	seq.s32 s5, $0x0;
	s5 =	sld [smem:$0x3FB2]  }
0x2b: {  	s6 =	sld [smem:$0x3FB3]  }
0x2c: {  	s7 =	sld [smem:$0x3FB4]  }
0x2d: {  	s3 =	simm.s32 $0x108;
	s8 =	sld [smem:$0x3FB5]  }
0x2e: {  	s3 =	simm.s32 @!p0 $0x1082;
	s9 =	sld [smem:$0x3FB6]  }
0x2f: {  	lr =	sadd.s32 s0, s3;
	s0 =	sld [smem:$0x3FAD]  }
0x30: {  	s3 =	sld [smem:$0x3FB0]  }
0x31: {  	[smem:$0x3FB9] =	sst s10  }
0x32: {  	s10 =	sld [smem:$0x3FB7];
	_ =	sdelay $0x3  }
0x33: {  	p0 =	seq.s32 s10, $0x1;
	s10 =	sld [smem:$0x3FB9];
	_ =	sdelay $0x3  }
0x34: {  	[smem:$0x3FB9] =	sst s10  }
0x35: {  	s10 =	sld [smem:$0x3FB8];
	_ =	sdelay $0x3  }
0x36: {  	p1 =	seq.s32 s10, $0x1;
	s10 =	sld [smem:$0x3FB9];
	_ =	sdelay $0x3  }
0x37: {  	[smem:$0x3FB9] =	sst s10  }
0x38: {  	s10 =	sld [smem:$0x3FBA]  }
0x39: {  	_ = 	snop;
	(pc) =	sbr.ind lr, $3  }
0x3a: {  	_ = 	snop  }
0x3b: {  	_ = 	snop  }
0x3c: {  	p2 =	seq.s32 s10, $0x1;
	s10 =	sld [smem:$0x3FB9]  }
0x3d: {  	_ =	shalt  }
0x3e: {  	_ =	shalt  }
0x3f: {  	_ =	shalt  }
0x40: {  	_ =	shalt  }
0x41: {  	_ =	shalt  }
0x42: {  	_ =	shalt  }
0x43: {  	_ =	shalt  }
0x44: {  	_ =	shalt  }
0x45: {  	_ =	shalt  }
0x46: {  	_ =	shalt  }
0x47: {  	_ =	shalt  }
0x48: {  	_ =	shalt  }
0x49: {  	_ =	shalt  }
0x4a: {  	_ =	shalt  }
0x4b: {  	_ =	shalt  }
0x4c: {  	_ =	shalt  }
0x4d: {  	_ =	shalt  }
0x4e: {  	_ =	shalt  }
0x4f: {  	_ =	shalt  }
0x50: {  	_ =	shalt  }
0x51: {  	_ =	shalt  }
0x52: {  	_ =	shalt  }
0x53: {  	_ =	shalt  }
0x54: {  	_ =	shalt  }
0x55: {  	_ =	shalt  }
0x56: {  	_ =	shalt  }
0x57: {  	_ =	shalt  }
0x58: {  	_ =	shalt  }
0x59: {  	_ =	shalt  }
0x5a: {  	_ =	shalt  }
0x5b: {  	_ =	shalt  }
0x5c: {  	_ =	shalt  }
0x5d: {  	_ =	shalt  }
0x5e: {  	_ =	shalt  }
0x5f: {  	_ =	shalt  }
0x60: {  	_ =	shalt  }
0x61: {  	_ =	shalt  }
0x62: {  	_ =	shalt  }
0x63: {  	_ =	shalt  }
0x64: {  	_ =	shalt  }
0x65: {  	_ =	shalt  }
0x66: {  	_ =	shalt  }
0x67: {  	_ =	shalt  }
0x68: {  	_ =	shalt  }
0x69: {  	_ =	shalt  }
0x6a: {  	_ =	shalt  }
0x6b: {  	_ =	shalt  }
0x6c: {  	_ =	shalt  }
0x6d: {  	_ =	shalt  }
0x6e: {  	_ =	shalt  }
0x6f: {  	_ =	shalt  }
0x70: {  	_ =	shalt  }
0x71: {  	_ =	shalt  }
0x72: {  	_ =	shalt  }
0x73: {  	_ =	shalt  }
0x74: {  	_ =	shalt  }
0x75: {  	_ =	shalt  }
0x76: {  	_ =	shalt  }
0x77: {  	_ =	shalt  }
0x78: {  	_ =	shalt  }
0x79: {  	_ =	shalt  }
0x7a: {  	_ =	shalt  }
0x7b: {  	_ =	shalt  }
0x7c: {  	_ =	shalt  }
0x7d: {  	_ =	shalt  }
0x7e: {  	_ =	shalt  }
0x7f: {  	_ =	shalt  }
0x80: {  	_ =	shalt  }
0x81: {  	_ =	shalt  }
0x82: {  	_ =	shalt  }
0x83: {  	_ =	shalt  }
0x84: {  	_ =	shalt  }
0x85: {  	_ =	shalt  }
0x86: {  	_ =	shalt  }
0x87: {  	_ =	shalt  }
.Lfunc_end0:
.L_simem_size_0:
called_computation.1_lowered:
.L_overlay_start_0:
0x88: {  	s2 =	sld [smem:$0x3FD9]  }
0x89: {  	s3 =	sld [smem:$0x3FFE];
	_ =	sdelay $0x1  }
0x8a: {  	s1 =	srdreg.scid  }
0x8b: {  	s0 =	sand.u32 $0x1, s1  }
0x8c: {  	s16 =	sshll.u32 s0, $0xA;
	s2 =	sadd.s32 s3, s2  }
0x8d: {  	s2 =	sadd.s32 s2, s16  }
0x8e: {  	[smem:$0x3FC5] =	sst s2  }
0x8f: {  	_ = 	snop  }
0x90: {  	(tm) =	ssettm $0x1  }
0x91: {  	s17 =	sld [smem:$0x3FFB];
	_ =	sdelay $0x3  }
0x92: {  	_ =	strace s17  }
0x93: {  	s2 =	sld [smem:$0x3FFC];
	_ =	sdelay $0x3  }
0x94: {  	_ =	strace s2  }
0x95: {  	s2 =	sld [smem:$0x3FFD];
	_ =	sdelay $0x3  }
0x96: {  	_ =	strace s2  }
0x97: {  	_ =	strace $0x8FFFFFFF  }
0x98: {  	s18 =	sld [smem:$0x3FDB];
	_ =	sdelay $0x1  }
0x99: {  	s19 =	simm.s32 $_scs_section_size  }
0x9a: {  	s4 =	simm.s32 $_size__tile_overlayer_lowered;
	s5 =	simm.s32 $_tile_overlayer_lowered  }
0x9b: {  	s22 =	simm.s32 $0x1BFF;
	s21 =	sshll.u32 s5, $0x1;
	s2 =	sadd.s32 s19, s18  }
0x9c: {  	s6 =	simm.s32 $0x0;
	s20 =	sshll.u32 s4, $0x1;
	s4 =	sadd.s32 s21, s2  }
0x9d: {  	[timem:s6], [sflag:s22] =	dma.local [hbm:s4], s20  }
0x9e: {  	_ =	swait.ge [sflag:s22], s20  }
0x9f: {  	s3 =	ssub.s32 $0x0, s20;
	[sflag:s22] =	ssyncset.done $0x0  }
0xa0: {  	[sflag:s22] =	ssyncadd.s32 s3;
	_ =	sdelay $0x1  }
0xa1: {  	s23 =	simm.s32 $0x1B8B  }
0xa2: {  	_ =	swait.ge [sflag:s23], $0x1  }
0xa3: {  	[sflag:s23] =	ssyncset.done $0x0  }
0xa4: {  	s25 =	simm.s32 $0x1B8E;
	s24 =	sld [smem:$0x3FFE];
	[sflag:s23] =	ssyncadd.s32 $0xFFFFFFFF  }
0xa5: {  	s26 =	simm.s32 $execute0_lowered;
	[smem:$0x3FD2] =	sst s25  }
0xa6: {  	s4 =	sshll.u32 s26, $0x1;
	_ =	strace $0x80000049;
	[dreg:$0x1] =	wrdreg $0xFFFFFFFF  }
0xa7: {  	s28 =	simm.s32 $_size_execute0_lowered;
	s2 =	sadd.s32 s2, s4;
	[dreg:$0x0] =	wrdreg $0x0  }
0xa8: {  	s4 =	sshll.u32 s28, $0x1;
	[dreg:$0x2] =	wrdreg s2  }
0xa9: {  	[dreg:$0x3] =	wrdreg s4  }
0xaa: {  	[dreg:$0x4] =	wrdreg $0xC0  }
0xab: {  	_ =	task [dreg:s6], $0x5FFFF  }
0xac: {  	[dreg:$0x1] =	wrdreg $0xFFFFFFFF  }
0xad: {  	[dreg:$0x0] =	wrdreg $0x60  }
0xae: {  	[dreg:$0x2] =	wrdreg s24  }
0xaf: {  	[dreg:$0x3] =	wrdreg $0x9  }
0xb0: {  	_ =	task.clear_ibuf [dreg:s6], $0x4FFFF;
	_ =	strace $0x90000049  }
0xb1: {  	s29 =	simm.s32 $0x9;
	_ =	strace $0x8000004B  }
0xb2: {  	_ =	swait.ge [sflag:s29], $0x1  }
0xb3: {  	[sflag:s29] =	ssyncadd.s32 $0xFFFFFFFF  }
0xb4: {  	_ =	strace $0x9000004B  }
0xb5: {  	_ =	sfence  }
0xb6: {  	s30 =	sld [smem:$0x0];
	_ =	sdelay $0x2  }
0xb7: {  	s31 =	sshll.u32 s1, $0xD;
	s1 =	sshrl.u32 s1, $0x2  }
0xb8: {  	s3 =	sand.u32 $0x4000, s31;
	s1 =	sadd.s32 s1, s30  }
0xb9: {  	s0 =	sor.u32 s3, s0;
	s1 =	sshll.u32 s1, $0x11  }
0xba: {  	s0 =	sor.u32 s1, s0  }
0xbb: {  	s0 =	sadd.s32 $0x8F2B, s0  }
0xbc: {  	[sflag:s0] =	ssyncadd.remote.s32 $0x1  }
0xbd: {  	_ =	sfence.sel $0xFFFF  }
0xbe: {  	[dreg:$0x0] =	wrdreg $0xFFFFFFFF;
	(pc) =	sbr.abs _section_cstart, $3  }
0xbf: {  	[dreg:$0x1] =	wrdreg $0xFFFFFFFF  }
0xc0: {  	_ =	task.clear_ibuf [dreg:s6], $0x2FFFF;
	_ =	strace $0x9FFFFFFF  }
0xc1: {  	(tm) =	ssettm $0x7FFFFFFF  }
tec
execute0_lowered:
.L_overlay_start_1:
0x0: {  	(tag) =	ssettag $0x1  }
0x1: {  	s4 =	rddreg [dreg:$0x0]  }
0x2: {  	s0 =	rddreg [dreg:$0x1]  }
0x3: {  	s3 =	srdreg.scid;
	s1 =	stileid.u32;
	s2 =	simm.s32 $0x0  }
0x4: {  	s11 =	simm.s32 $0x6400;
	s12 =	simm.s32 $0xE400;
	s13 =	simm.s32 $0x12400  }
0x5: {  	s14 =	simm.s32 $0xA400;
	s15 =	simm.s32 $0x10400;
	s16 =	simm.s32 $0x14400  }
0x6: {  	s17 =	simm.s32 $0x1;
	s18 =	simm.s32 $0x3;
	s19 =	simm.s32 $0x5  }
0x7: {  	s20 =	simm.s32 $0x2;
	s21 =	simm.s32 $0x4;
	s22 =	simm.s32 $0x6  }
0x8: {  	s23 =	simm.s32 $0x16400;
	s3 =	sand.u32 $0x1, s3;
	s5 =	sshll.u32 s1, $0x1  }
0x9: {  	s24 =	simm.s32 $0x0;
	[smem:$0x7FF] =	sst s2;
	s5 =	sor.u32 s3, s5  }
0xa: {  	_ =	strace $0x8000004A;
	s8 =	ssub.s32 $0x2, s3;
	s3 =	sadd.s32 $0x1582A00, s4  }
0xb: {  	s6 =	sshll.u32 s5, $0xB;
	s7 =	sshll.u32 s5, $0x4;
	s5 =	sshll.u32 s5, $0x1  }
0xc: {  	s9 =	sshrl.u32 s8, $0x1;
	s6 =	sadd.s32 s6, s4;
	s7 =	sadd.s32 s7, s4  }
0xd: {  	s10 =	sadd.s32 s5, s4;
	s8 =	ssub.s32 s8, s9;
	s9 =	simm.s32 $0x1000  }
0xe: {  	s4 =	sadd.s32 $0x640600, s7;
	s5 =	sadd.s32 $0x600, s6;
	s6 =	sadd.s32 $0x659600, s10  }
0xf: {  	s7 =	smax.u32 s8, $0x1;
	s8 =	simm.s32 $0x80;
	s10 =	simm.s32 $0x7  }
.LBB2_1:
0x10: {  	[tilespmem:s2], [sflag:$0x7] =	stream.strided.gather [hbm4b:s4+s8], $0x6400, s9, s8, $0x38;
	[tilespmem:$0x16410] =	vst v63  }
0x11: {  	_ =	swait.ge [sflag:s10], $0x6400  }
0x12: {  	[sflag:s10] =	ssyncset.done $0x0  }
0x13: {  	[sflag:s10] =	ssyncadd.s32 $0xFFFF9C00  }
0x14: {  	[tilespmem:s11], [sflag:$0x1] =	stream.linear.gather [hbm4b:s5+s2], $0x4000, $0x38;
	[tilespmem:$0x16410] =	vst v63  }
0x15: {  	_ = 	snop  }
0x16: {  	v3 =	vimm.f32 $0.0e+00;
	v1 =	vimm.f32 $0.0e+00;
	[tilespmem:s12], [sflag:$0x3] =	stream.indirect.gather [hbm4b:s3+s8], $0x40, s2, s8, $0xb8;
	[tilespmem:$0x16410] =	vst v63  }
0x17: {  	v4 =	vimm.f32 $0.0e+00;
	v11 =	vimm.f32 $0.0e+00;
	v2 =	vimm.f32 $0.0e+00;
	s25 =	simm.s32 $0x0  }
0x18: {  	v7 =	vimm.f32 $0.0e+00;
	v5 =	vimm.f32 $0.0e+00;
	v0 =	vimm.f32 $0.0e+00;
	[tilespmem:s13], [sflag:$0x5] =	stream.indirect.gather [hbm4b:s3+s8], $0x40, s8, s8, $0xb8;
	[tilespmem:$0x16410] =	vst v63  }
.LBB2_2:
0x19: {  	s26 =	sshllo.u32 s25, $0x1  }
0x1a: {  	s28 =	sshll.u32 s26, $0x10  }
0x1b: {  	s29 =	simm.s32 $0x0;
	s26 =	sshll.u32 s26, $0x8;
	s28 =	sadd.s32 s28, s5  }
0x1c: {  	[tilespmem:s14], [sflag:$0x2] =	stream.linear.gather [hbm4b:s28+s29], $0x4000, $0x38;
	[tilespmem:$0x16410] =	vst v63  }
0x1d: {  	s26 =	sand.u32 $0x3FFFFF00, s26  }
0x1e: {  	[tilespmem:s15], [sflag:$0x4] =	stream.indirect.gather [hbm4b:s3+s8], $0x40, s26, s8, $0xb8;
	[tilespmem:$0x16410] =	vst v63  }
0x1f: {  	s26 =	sor.u32 $0x80, s26  }
0x20: {  	[tilespmem:s16], [sflag:$0x6] =	stream.indirect.gather [hbm4b:s3+s8], $0x40, s26, s8, $0xb8;
	[tilespmem:$0x16410] =	vst v63  }
0x21: {  	_ =	swait.ge [sflag:s17], $0x4000  }
0x22: {  	[sflag:s17] =	ssyncset.done $0x0  }
0x23: {  	[sflag:s17] =	ssyncadd.s32 $0xFFFFC000  }
0x24: {  	_ =	swait.ge [sflag:s18], $0x2000  }
0x25: {  	[sflag:s18] =	ssyncset.done $0x0  }
0x26: {  	[sflag:s18] =	ssyncadd.s32 $0xFFFFE000  }
0x27: {  	_ =	swait.ge [sflag:s19], $0x2000  }
0x28: {  	[sflag:s19] =	ssyncset.done $0x0  }
0x29: {  	s29 =	simm.s32 $0x6480;
	[sflag:s19] =	ssyncadd.s32 $0xFFFFE000  }
0x2a: {  	s31 =	simm.s32 $0x0;
	v6 =	vld [tilespmem:s29+$0x70]  }
0x2b: {  	v10 =	vld [tilespmem:s31+$0x12440]  }
0x2c: {  	v12 =	vld [tilespmem:s29+$0x40]  }
0x2d: {  	v14 =	vld [tilespmem:s31+$0xE440]  }
0x2e: {  	v13 =	vld [tilespmem:s29+$0xFFFFFFC0]  }
0x2f: {  	v15 =	vld [tilespmem:s29+$0x0]  }
0x30: {  	v16 =	vld [tilespmem:s29+$0x10]  }
0x31: {  	v17 =	vld [tilespmem:s29+$0xFFFFFF90]  }
0x32: {  	v18 =	vld [tilespmem:s31+$0xE450]  }
0x33: {  	v21 =	vld [tilespmem:s29+$0xFFFFFFB0]  }
0x34: {  	v19 =	vld [tilespmem:s29+$0xFFFFFFD0]  }
0x35: {  	v20 =	vld [tilespmem:s29+$0xFFFFFFA0]  }
0x36: {  	v22 =	vld [tilespmem:s31+$0x12400]  }
0x37: {  	v23 =	vld [tilespmem:s29+$0xFFFFFFE0]  }
0x38: {  	v24 =	vld [tilespmem:s29+$0xFFFFFFF0]  }
0x39: {  	v25 =	vld [tilespmem:s29+$0x60]  }
0x3a: {  	v9 =	vld [tilespmem:s29+$0xFFFFFF80]  }
0x3b: {  	v26 =	vld [tilespmem:s31+$0x12460]  }
0x3c: {  	v27 =	vld [tilespmem:s31+$0x12430]  }
0x3d: {  	v28 =	vld [tilespmem:s31+$0xE420]  }
0x3e: {  	v29 =	vld [tilespmem:s31+$0xE410]  }
0x3f: {  	v30 =	vld [tilespmem:s31+$0xE430]  }
0x40: {  	v31 =	vld [tilespmem:s31+$0x12410]  }
0x41: {  	v8 =	vld [tilespmem:s31+$0xE460];
	v12 =	vsub.f32 v12, v10  }
0x42: {  	v62 =	vld [tilespmem:s31+$0x12420];
	v20 =	vsub.f32 v20, v28;
	v32 =	vsub.f32 v16, v18  }
0x43: {  	v29 =	vsub.f32 v17, v29;
	v17 =	vld [tilespmem:s31+$0xE400];
	v10 =	vsub.f32 v25, v26  }
0x44: {  	v22 =	vsub.f32 v13, v22;
	v16 =	vld [tilespmem:s31+$0x12470];
	v24 =	vsub.f32 v24, v27  }
0x45: {  	v13 =	vld [tilespmem:s31+$0x12450];
	v27 =	vsub.f32 v19, v31;
	v20 =	vmul.f32 v20, v20;
	v25 =	vmul.f32 v29, v29  }
0x46: {  	v14 =	vsub.f32 v15, v14;
	v15 =	vld [tilespmem:s29+$0x30];
	v18 =	vmul.f32 v12, v12;
	v26 =	vmul.f32 v22, v22  }
0x47: {  	v12 =	vld [tilespmem:s31+$0xE470];
	v22 =	vsub.f32 v23, v62;
	v63 =	vmul.f32 v32, v32;
	v5 =	vadd.f32 v25, v5  }
0x48: {  	v19 =	vmul.f32 v24, v24;
	v25 =	vadd.f32 v26, v11;
	v11 =	vadd.f32 v20, v7;
	v20 =	vld [tilespmem:s29+$0x50]  }
0x49: {  	s28 =	simm.s32 $0x200;
	s26 =	sshll.u32 s25, $0x1;
	v23 =	vmul.f32 v27, v27;
	v24 =	vsub.f32 v21, v30;
	v21 =	vld [tilespmem:s29+$0x20];
	s29 =	simm.s32 $0x6580;
	v5 =	vadd.f32 v63, v5  }
.LBB2_3:
0x4a: {  	s30 =	sshra.s32 s28, $0x2;
	v7 =	vld [tilespmem:s29+$0x70];
	p0 =	sne.s32 s28, $0x7E00;
	s28 =	sadd.s32 $0x200, s28;
	v9 =	vsub.f32 v9, v17;
	v14 =	vmul.f32 v14, v14;
	v25 =	vadd.f32 v18, v25  }
0x4b: {  	v18 =	vmul.f32 v22, v22;
	v6 =	vsub.f32 v6, v16;
	v17 =	vld [tilespmem:s30+$0x12440];
	v22 =	vmul.f32 v24, v24  }
0x4c: {  	v4 =	vadd.f32 v23, v4;
	v3 =	vadd.f32 v19, v3;
	v10 =	vmul.f32 v10, v10;
	v16 =	vld [tilespmem:s29+$0x40]  }
0x4d: {  	v1 =	vadd.f32 v18, v1;
	v18 =	vmul.f32 v6, v6;
	v23 =	vld [tilespmem:s30+$0xE440];
	v13 =	vsub.f32 v20, v13  }
0x4e: {  	v9 =	vmul.f32 v9, v9;
	v12 =	vsub.f32 v15, v12;
	v19 =	vld [tilespmem:s29+$0xFFFFFFC0];
	v8 =	vsub.f32 v21, v8  }
0x4f: {  	v2 =	vadd.f32 v22, v2;
	v1 =	vadd.f32 v10, v1;
	v15 =	vld [tilespmem:s29+$0x0];
	v13 =	vmul.f32 v13, v13;
	v6 =	vmovc v7  }
0x50: {  	v10 =	vmul.f32 v12, v12;
	v3 =	vadd.f32 v18, v3;
	v7 =	vld [tilespmem:s29+$0x10];
	v8 =	vmul.f32 v8, v8  }
0x51: {  	v0 =	vadd.f32 v9, v0;
	v12 =	vld [tilespmem:s29+$0xFFFFFF90];
	v4 =	vadd.f32 v13, v4  }
0x52: {  	v2 =	vadd.f32 v10, v2;
	v9 =	vld [tilespmem:s30+$0xE450];
	v11 =	vadd.f32 v8, v11  }
0x53: {  	v0 =	vadd.f32 v14, v0;
	v13 =	vsub.f32 v16, v17;
	v21 =	vld [tilespmem:s29+$0xFFFFFFB0]  }
0x54: {  	v14 =	vld [tilespmem:s29+$0xFFFFFFD0]  }
0x55: {  	v16 =	vld [tilespmem:s29+$0xFFFFFFA0]  }
0x56: {  	v18 =	vld [tilespmem:s30+$0x12400]  }
0x57: {  	v20 =	vld [tilespmem:s29+$0xFFFFFFE0];
	v7 =	vsub.f32 v7, v9  }
0x58: {  	v17 =	vld [tilespmem:s29+$0xFFFFFFF0]  }
0x59: {  	v10 =	vld [tilespmem:s29+$0x60]  }
0x5a: {  	v9 =	vld [tilespmem:s29+$0xFFFFFF80]  }
0x5b: {  	v22 =	vld [tilespmem:s30+$0x12460]  }
0x5c: {  	v24 =	vld [tilespmem:s30+$0x12430]  }
0x5d: {  	v26 =	vld [tilespmem:s30+$0xE420]  }
0x5e: {  	v27 =	vld [tilespmem:s30+$0xE410]  }
0x5f: {  	v28 =	vld [tilespmem:s30+$0xE430]  }
0x60: {  	v8 =	vld [tilespmem:s30+$0xE460];
	v10 =	vsub.f32 v10, v22  }
0x61: {  	v22 =	vld [tilespmem:s30+$0x12410];
	v24 =	vsub.f32 v17, v24  }
0x62: {  	v16 =	vsub.f32 v16, v26;
	v26 =	vld [tilespmem:s30+$0x12420]  }
0x63: {  	v17 =	vld [tilespmem:s30+$0xE400];
	v12 =	vsub.f32 v12, v27  }
0x64: {  	v27 =	vsub.f32 v19, v18;
	v18 =	vmul.f32 v13, v13;
	v29 =	vmul.f32 v16, v16;
	v16 =	vld [tilespmem:s30+$0x12470]  }
.Ltmp0:
0x65: {  	v19 =	vmul.f32 v24, v24;
	v30 =	vmul.f32 v12, v12;
	v13 =	vld [tilespmem:s30+$0x12450];
	(pc) =	sbr.rel @p0 .LBB2_3-.Ltmp0, $4  }
0x66: {  	v24 =	vmul.f32 v27, v27;
	v27 =	vsub.f32 v14, v22;
	v14 =	vsub.f32 v15, v23;
	v12 =	vld [tilespmem:s30+$0xE470]  }
0x67: {  	v7 =	vmul.f32 v7, v7;
	v5 =	vadd.f32 v30, v5;
	v22 =	vsub.f32 v20, v26;
	v15 =	vld [tilespmem:s29+$0x30]  }
0x68: {  	v11 =	vadd.f32 v29, v11;
	v25 =	vadd.f32 v24, v25;
	v23 =	vmul.f32 v27, v27;
	v20 =	vld [tilespmem:s29+$0x50]  }
0x69: {  	v24 =	vsub.f32 v21, v28;
	v5 =	vadd.f32 v7, v5;
	v21 =	vld [tilespmem:s29+$0x20];
	s29 =	sadd.s32 $0x100, s29  }
0x6a: {  	p0 =	seq.s32 s25, $0x31  }
0x6b: {  	s26 =	sadd.s32 @!p0 $0x2, s26  }
0x6c: {  	s29 =	simm.s32 @!p0 $0x0;
	s28 =	sshll.u32 @!p0 s26, $0x10  }
0x6d: {  	s30 =	simm.s32 @!p0 $0x6400;
	s26 =	sshll.u32 @!p0 s26, $0x8;
	s28 =	sadd.s32 @!p0 s28, s5  }
0x6e: {  	[tilespmem:s30], [sflag:$0x1] =	stream.linear.gather @!p0 [hbm4b:s28+s29], $0x4000, $0x38;
	[tilespmem:$0x16410] =	vst v63  }
0x6f: {  	s26 =	sand.u32 @!p0 $0x3FFFFF00, s26;
	s28 =	simm.s32 @!p0 $0x80;
	s29 =	simm.s32 @!p0 $0xE400  }
0x70: {  	[tilespmem:s29], [sflag:$0x3] =	stream.indirect.gather @!p0 [hbm4b:s3+s28], $0x40, s26, s28, $0xb8;
	[tilespmem:$0x16410] =	vst v63  }
0x71: {  	s26 =	sor.u32 @!p0 $0x80, s26;
	s29 =	simm.s32 @!p0 $0x12400  }
0x72: {  	[tilespmem:s29], [sflag:$0x5] =	stream.indirect.gather @!p0 [hbm4b:s3+s28], $0x40, s26, s28, $0xb8;
	[tilespmem:$0x16410] =	vst v63  }
0x73: {  	_ =	swait.ge [sflag:s20], $0x4000  }
0x74: {  	[sflag:s20] =	ssyncset.done $0x0  }
0x75: {  	[sflag:s20] =	ssyncadd.s32 $0xFFFFC000  }
0x76: {  	_ =	swait.ge [sflag:s21], $0x2000  }
0x77: {  	[sflag:s21] =	ssyncset.done $0x0  }
0x78: {  	[sflag:s21] =	ssyncadd.s32 $0xFFFFE000  }
0x79: {  	_ =	swait.ge [sflag:s22], $0x2000  }
0x7a: {  	[sflag:s22] =	ssyncset.done $0x0  }
0x7b: {  	s28 =	simm.s32 $0xA480;
	[sflag:s22] =	ssyncadd.s32 $0xFFFFE000  }
0x7c: {  	s31 =	simm.s32 $0x0;
	v7 =	vld [tilespmem:s28+$0x70]  }
0x7d: {  	v26 =	vld [tilespmem:s31+$0x14440]  }
0x7e: {  	v27 =	vld [tilespmem:s28+$0x40]  }
0x7f: {  	v28 =	vld [tilespmem:s31+$0x10440]  }
0x80: {  	v29 =	vld [tilespmem:s28+$0xFFFFFFC0]  }
0x81: {  	v30 =	vld [tilespmem:s28+$0x0]  }
0x82: {  	v31 =	vld [tilespmem:s28+$0x10]  }
0x83: {  	v32 =	vld [tilespmem:s28+$0xFFFFFF90]  }
0x84: {  	v33 =	vld [tilespmem:s31+$0x10450]  }
0x85: {  	v34 =	vld [tilespmem:s28+$0xFFFFFFB0]  }
0x86: {  	v35 =	vld [tilespmem:s28+$0xFFFFFFD0]  }
0x87: {  	v36 =	vld [tilespmem:s28+$0xFFFFFFA0]  }
0x88: {  	v37 =	vld [tilespmem:s31+$0x14400]  }
0x89: {  	v38 =	vld [tilespmem:s28+$0xFFFFFFE0]  }
0x8a: {  	v9 =	vsub.f32 v9, v17;
	v17 =	vmul.f32 v22, v22;
	v16 =	vsub.f32 v6, v16;
	v22 =	vld [tilespmem:s28+$0xFFFFFFF0]  }
0x8b: {  	v4 =	vadd.f32 v23, v4;
	v3 =	vadd.f32 v19, v3;
	v23 =	vld [tilespmem:s28+$0x60]  }
0x8c: {  	v10 =	vmul.f32 v10, v10;
	v14 =	vmul.f32 v14, v14;
	v1 =	vadd.f32 v17, v1;
	v6 =	vld [tilespmem:s28+$0xFFFFFF80]  }
0x8d: {  	v17 =	vmul.f32 v24, v24;
	v16 =	vmul.f32 v16, v16;
	v12 =	vsub.f32 v15, v12;
	v19 =	vld [tilespmem:s31+$0x14460]  }
0x8e: {  	v9 =	vmul.f32 v9, v9;
	v13 =	vsub.f32 v20, v13;
	v8 =	vsub.f32 v21, v8;
	v15 =	vld [tilespmem:s31+$0x14430]  }
0x8f: {  	v2 =	vadd.f32 v17, v2;
	v1 =	vadd.f32 v10, v1;
	v12 =	vmul.f32 v12, v12;
	v10 =	vld [tilespmem:s31+$0x10420]  }
0x90: {  	v3 =	vadd.f32 v16, v3;
	v0 =	vadd.f32 v9, v0;
	v13 =	vmul.f32 v13, v13;
	v16 =	vld [tilespmem:s31+$0x10410]  }
0x91: {  	v18 =	vadd.f32 v18, v25;
	v8 =	vmul.f32 v8, v8;
	v2 =	vadd.f32 v12, v2;
	v12 =	vld [tilespmem:s31+$0x14410]  }
0x92: {  	v0 =	vadd.f32 v14, v0;
	v4 =	vadd.f32 v13, v4;
	v17 =	vld [tilespmem:s31+$0x14420]  }
0x93: {  	v25 =	vadd.f32 v8, v11;
	v24 =	vld [tilespmem:s31+$0x10430];
	v13 =	vsub.f32 v27, v26  }
0x94: {  	v8 =	vld [tilespmem:s31+$0x10460];
	v10 =	vsub.f32 v36, v10;
	v26 =	vsub.f32 v31, v33  }
0x95: {  	v11 =	vld [tilespmem:s31+$0x10400];
	v20 =	vsub.f32 v32, v16;
	v9 =	vsub.f32 v23, v19  }
0x96: {  	v14 =	vld [tilespmem:s31+$0x14470];
	v19 =	vsub.f32 v29, v37;
	v22 =	vsub.f32 v22, v15  }
0x97: {  	v27 =	vsub.f32 v35, v12;
	v12 =	vld [tilespmem:s31+$0x10470];
	v21 =	vsub.f32 v38, v17;
	v15 =	vmul.f32 v20, v20  }
0x98: {  	v24 =	vsub.f32 v34, v24;
	v16 =	vmul.f32 v13, v13;
	v13 =	vld [tilespmem:s31+$0x14450];
	v19 =	vmul.f32 v19, v19  }
0x99: {  	v10 =	vmul.f32 v10, v10;
	v26 =	vmul.f32 v26, v26;
	v5 =	vadd.f32 v15, v5;
	v15 =	vld [tilespmem:s28+$0x30]  }
0x9a: {  	v20 =	vsub.f32 v30, v28;
	v17 =	vmul.f32 v22, v22;
	v23 =	vadd.f32 v19, v18;
	v18 =	vld [tilespmem:s28+$0x50]  }
0x9b: {  	s26 =	simm.s32 $0x200;
	v22 =	vmul.f32 v27, v27;
	v10 =	vadd.f32 v10, v25;
	v19 =	vld [tilespmem:s28+$0x20];
	s28 =	simm.s32 $0xA580;
	v5 =	vadd.f32 v26, v5  }
.LBB2_5:
0x9c: {  	s29 =	sshra.s32 s26, $0x2;
	v25 =	vld [tilespmem:s28+$0x70];
	p0 =	sne.s32 s26, $0x7E00;
	s26 =	sadd.s32 $0x200, s26;
	v6 =	vsub.f32 v6, v11;
	v11 =	vmul.f32 v20, v20;
	v23 =	vadd.f32 v16, v23  }
0x9d: {  	v20 =	vmul.f32 v21, v21;
	v7 =	vsub.f32 v7, v14;
	v16 =	vld [tilespmem:s29+$0x14440];
	v21 =	vmul.f32 v24, v24  }
0x9e: {  	v4 =	vadd.f32 v22, v4;
	v3 =	vadd.f32 v17, v3;
	v9 =	vmul.f32 v9, v9;
	v14 =	vld [tilespmem:s28+$0x40]  }
0x9f: {  	v1 =	vadd.f32 v20, v1;
	v17 =	vmul.f32 v7, v7;
	v22 =	vld [tilespmem:s29+$0x10440];
	v13 =	vsub.f32 v18, v13  }
0xa0: {  	v6 =	vmul.f32 v6, v6;
	v12 =	vsub.f32 v15, v12;
	v18 =	vld [tilespmem:s28+$0xFFFFFFC0];
	v8 =	vsub.f32 v19, v8  }
0xa1: {  	v2 =	vadd.f32 v21, v2;
	v1 =	vadd.f32 v9, v1;
	v15 =	vld [tilespmem:s28+$0x0];
	v13 =	vmul.f32 v13, v13;
	v7 =	vmovc v25  }
0xa2: {  	v12 =	vmul.f32 v12, v12;
	v3 =	vadd.f32 v17, v3;
	v9 =	vld [tilespmem:s28+$0x10];
	v8 =	vmul.f32 v8, v8  }
0xa3: {  	v0 =	vadd.f32 v6, v0;
	v17 =	vld [tilespmem:s28+$0xFFFFFF90];
	v4 =	vadd.f32 v13, v4  }
0xa4: {  	v2 =	vadd.f32 v12, v2;
	v6 =	vld [tilespmem:s29+$0x10450];
	v10 =	vadd.f32 v8, v10  }
0xa5: {  	v0 =	vadd.f32 v11, v0;
	v12 =	vsub.f32 v14, v16;
	v19 =	vld [tilespmem:s28+$0xFFFFFFB0]  }
0xa6: {  	v20 =	vld [tilespmem:s28+$0xFFFFFFD0]  }
0xa7: {  	v11 =	vld [tilespmem:s28+$0xFFFFFFA0]  }
0xa8: {  	v13 =	vld [tilespmem:s29+$0x14400]  }
0xa9: {  	v21 =	vld [tilespmem:s28+$0xFFFFFFE0];
	v24 =	vsub.f32 v9, v6  }
0xaa: {  	v14 =	vld [tilespmem:s28+$0xFFFFFFF0]  }
0xab: {  	v9 =	vld [tilespmem:s28+$0x60]  }
0xac: {  	v6 =	vld [tilespmem:s28+$0xFFFFFF80]  }
0xad: {  	v16 =	vld [tilespmem:s29+$0x14460]  }
0xae: {  	v25 =	vld [tilespmem:s29+$0x14430]  }
0xaf: {  	v26 =	vld [tilespmem:s29+$0x10420]  }
0xb0: {  	v27 =	vld [tilespmem:s29+$0x10410]  }
0xb1: {  	v28 =	vld [tilespmem:s29+$0x10430]  }
0xb2: {  	v8 =	vld [tilespmem:s29+$0x10460];
	v9 =	vsub.f32 v9, v16  }
0xb3: {  	v29 =	vld [tilespmem:s29+$0x14410];
	v25 =	vsub.f32 v14, v25  }
0xb4: {  	v14 =	vsub.f32 v11, v26;
	v26 =	vld [tilespmem:s29+$0x14420]  }
0xb5: {  	v11 =	vld [tilespmem:s29+$0x10400];
	v17 =	vsub.f32 v17, v27  }
0xb6: {  	v18 =	vsub.f32 v18, v13;
	v16 =	vmul.f32 v12, v12;
	v27 =	vmul.f32 v14, v14;
	v14 =	vld [tilespmem:s29+$0x14470]  }
.Ltmp1:
0xb7: {  	v30 =	vmul.f32 v17, v17;
	v17 =	vmul.f32 v25, v25;
	v13 =	vld [tilespmem:s29+$0x14450];
	(pc) =	sbr.rel @p0 .LBB2_5-.Ltmp1, $4  }
0xb8: {  	v18 =	vmul.f32 v18, v18;
	v25 =	vsub.f32 v20, v29;
	v20 =	vsub.f32 v15, v22;
	v12 =	vld [tilespmem:s29+$0x10470]  }
0xb9: {  	v5 =	vadd.f32 v30, v5;
	v21 =	vsub.f32 v21, v26;
	v26 =	vmul.f32 v24, v24;
	v15 =	vld [tilespmem:s28+$0x30]  }
0xba: {  	v23 =	vadd.f32 v18, v23;
	v10 =	vadd.f32 v27, v10;
	v22 =	vmul.f32 v25, v25;
	v18 =	vld [tilespmem:s28+$0x50]  }
0xbb: {  	v24 =	vsub.f32 v19, v28;
	v5 =	vadd.f32 v26, v5;
	v19 =	vld [tilespmem:s28+$0x20];
	s28 =	sadd.s32 $0x100, s28  }
0xbc: {  	v6 =	vsub.f32 v6, v11  }
0xbd: {  	v11 =	vadd.f32 v16, v23;
	v62 =	vmul.f32 v21, v21;
	v7 =	vsub.f32 v7, v14  }
0xbe: {  	v20 =	vmul.f32 v20, v20;
	v4 =	vadd.f32 v22, v4;
	v3 =	vadd.f32 v17, v3  }
0xbf: {  	v9 =	vmul.f32 v9, v9;
	s25 =	sadd.s32 $0x1, s25;
	v63 =	vmul.f32 v24, v24;
	v1 =	vadd.f32 v62, v1  }
0xc0: {  	p0 =	sne.s32 s25, $0x32;
	v6 =	vmul.f32 v6, v6;
	v12 =	vsub.f32 v15, v12;
	v13 =	vsub.f32 v18, v13  }
.Ltmp2:
0xc1: {  	v7 =	vmul.f32 v7, v7;
	v2 =	vadd.f32 v63, v2;
	v8 =	vsub.f32 v19, v8;
	(pc) =	sbr.rel @p0 .LBB2_2-.Ltmp2, $4  }
0xc2: {  	v1 =	vadd.f32 v9, v1;
	v9 =	vmul.f32 v12, v12;
	v0 =	vadd.f32 v6, v0  }
0xc3: {  	v3 =	vadd.f32 v7, v3;
	v13 =	vmul.f32 v13, v13;
	v8 =	vmul.f32 v8, v8  }
0xc4: {  	v2 =	vadd.f32 v9, v2;
	v0 =	vadd.f32 v20, v0  }
0xc5: {  	v4 =	vadd.f32 v13, v4;
	v7 =	vadd.f32 v8, v10  }
0xc6: {  	v0 =	vadd.f32 v5, v0;
	v1 =	vadd.f32 v3, v1  }
0xc7: {  	v2 =	vadd.f32 v2, v7;
	v4 =	vadd.f32 v4, v11;
	_ =	sdelay $0x1  }
0xc8: {  	v0 =	vadd.f32 v2, v0;
	v1 =	vadd.f32 v1, v4;
	_ =	sdelay $0x1  }
0xc9: {  	s24 =	sadd.s32 $0x1, s24;
	v0 =	vadd.f32 v1, v0  }
0xca: {  	p0 =	sne.s32 s24, s7  }
.Ltmp3:
0xcb: {  	[tilespmem:$0x16400] =	vst v0;
	(pc) =	sbr.rel @p0 .LBB2_1-.Ltmp3, $4  }
0xcc: {  	[hbm4b:s6+s2] =	stream.linear.scatter [tilespmem:s23], [sflag:$0x7], $0x10, $0x38;
	[tilespmem:$0x16410] =	vst v63  }
0xcd: {  	_ =	swait.ge [sflag:s10], $0x10  }
0xce: {  	[sflag:s10] =	ssyncset.done $0x0  }
0xcf: {  	[sflag:s10] =	ssyncadd.s32 $0xFFFFFFF0  }
0xd0: {  	_ =	sfence.sel $0x180000  }
0xd1: {  	[bflag:$0x0] =	sbarrier.arrive $0xFFFF  }
0xd2: {  	p0 =	sne.s32 s1, $0x0;
	_ =	strace $0x9000004A  }
0xd3: {  	s0 =	sadd.s32 @!p0 $0x100000, s0;
	[bflag:$0x2] =	sbarrier.arrive $0xFFFF  }
0xd4: {  	[sflag:s0] =	ssyncadd.tile.s32 @!p0 $0x1;
	_ =	shalt  }
.Lfunc_end2:
_tile_overlayer_lowered:
.L_overlay_start_2:
0xd5: {  	(tag) =	ssettag $0x2  }
0xd6: {  	s0 =	rddreg [dreg:$0x0];
	s2 =	stileid.u32  }
0xd7: {  	s1 =	rddreg [dreg:$0x1];
	p0 =	sne.s32 s2, $0x0  }
0xd8: {  	s3 =	rddreg [dreg:$0x2];
	[bflag:$0x3] =	sbarrier.arrive $0xFFFF;
	s2 =	simm.s32 @!p0 $0x1C07  }
0xd9: {  	[timem:s3], [sflag:s2] =	dma.local @!p0 [hbm:s0], s1  }
0xda: {  	s0 =	simm.s32 @!p0 $0x7  }
0xdb: {  	_ =	swait.ge @!p0 [sflag:s0], s1  }
0xdc: {  	s1 =	ssub.s32 @!p0 $0x0, s1;
	[sflag:s0] =	ssyncset.done @!p0 $0x0  }
0xdd: {  	[sflag:s0] =	ssyncadd.s32 @!p0 s1  }
0xde: {  	[bflag:$0x3] =	sbarrier.arrive $0xFFFF  }
0xdf: {  	_ =	shalt  }

// kernel: sparse-core-data-format-call.cloned.1.call-start
scs
called_computation_lowered:
.L_overlay_start_0:
0x0: {  	s2 =	sld [smem:$0x3FD9]  }
0x1: {  	s3 =	sld [smem:$0x3FFE];
	_ =	sdelay $0x1  }
0x2: {  	s1 =	srdreg.scid  }
0x3: {  	s0 =	sand.u32 $0x1, s1  }
0x4: {  	s18 =	sshll.u32 s0, $0xA;
	s2 =	sadd.s32 s3, s2  }
0x5: {  	s2 =	sadd.s32 s2, s18  }
0x6: {  	[smem:$0x3FC5] =	sst s2  }
0x7: {  	_ = 	snop  }
0x8: {  	s2 =	sld [smem:$0x3FC9];
	(tm) =	ssettm $0x1  }
0x9: {  	s19 =	sld [smem:$0x3FFB];
	_ =	sdelay $0x3  }
0xa: {  	_ =	strace s19  }
0xb: {  	s3 =	sld [smem:$0x3FFC];
	_ =	sdelay $0x3  }
0xc: {  	_ =	strace s3  }
0xd: {  	s3 =	sld [smem:$0x3FFD];
	_ =	sdelay $0x3  }
0xe: {  	_ =	strace s3  }
0xf: {  	_ =	strace $0x8FFFFFFF  }
0x10: {  	s20 =	sld [smem:$0x3FDB];
	_ =	sdelay $0x1  }
0x11: {  	s4 =	simm.s32 $_scs_section_size  }
0x12: {  	s5 =	simm.s32 $_size__tile_overlayer_lowered;
	s6 =	simm.s32 $_tile_overlayer_lowered  }
0x13: {  	s23 =	simm.s32 $0x1BFF;
	s22 =	sshll.u32 s6, $0x1;
	s3 =	sadd.s32 s4, s20  }
0x14: {  	s7 =	simm.s32 $0x0;
	s21 =	sshll.u32 s5, $0x1;
	s5 =	sadd.s32 s22, s3  }
0x15: {  	[timem:s7], [sflag:s23] =	dma.local [hbm:s5], s21  }
0x16: {  	_ =	swait.ge [sflag:s23], s21  }
0x17: {  	s4 =	ssub.s32 $0x0, s21;
	[sflag:s23] =	ssyncset.done $0x0  }
0x18: {  	[sflag:s23] =	ssyncadd.s32 s4;
	_ =	sdelay $0x1  }
0x19: {  	s24 =	simm.s32 $0x1B8B  }
0x1a: {  	_ =	swait.ge [sflag:s24], $0x1  }
0x1b: {  	[sflag:s24] =	ssyncset.done $0x0  }
0x1c: {  	s26 =	simm.s32 $0x1B8E;
	s25 =	sld [smem:$0x3FFE];
	[sflag:s24] =	ssyncadd.s32 $0xFFFFFFFF  }
0x1d: {  	s27 =	simm.s32 $execute0_lowered;
	[smem:$0x3FD2] =	sst s26  }
0x1e: {  	s5 =	sshll.u32 s27, $0x1;
	_ =	strace $0x80000046;
	[dreg:$0x1] =	wrdreg $0xFFFFFFFF  }
0x1f: {  	s28 =	simm.s32 $_size_execute0_lowered;
	s3 =	sadd.s32 s3, s5;
	[dreg:$0x0] =	wrdreg $0x0  }
0x20: {  	s5 =	sshll.u32 s28, $0x1;
	[dreg:$0x2] =	wrdreg s3  }
0x21: {  	[dreg:$0x3] =	wrdreg s5  }
0x22: {  	[dreg:$0x4] =	wrdreg $0xC0  }
0x23: {  	_ =	task [dreg:s7], $0x5FFFF  }
0x24: {  	[dreg:$0x1] =	wrdreg $0xFFFFFFFF  }
0x25: {  	[dreg:$0x0] =	wrdreg $0x60  }
0x26: {  	[dreg:$0x2] =	wrdreg s2  }
0x27: {  	[dreg:$0x3] =	wrdreg s25  }
0x28: {  	[dreg:$0x4] =	wrdreg $0x9  }
0x29: {  	_ =	task.clear_ibuf [dreg:s7], $0x5FFFF;
	_ =	strace $0x90000046  }
0x2a: {  	s29 =	simm.s32 $0x9;
	_ =	strace $0x80000048  }
0x2b: {  	_ =	swait.ge [sflag:s29], $0x1  }
0x2c: {  	[sflag:s29] =	ssyncadd.s32 $0xFFFFFFFF  }
0x2d: {  	_ =	strace $0x90000048  }
0x2e: {  	_ =	sfence  }
0x2f: {  	s30 =	sld [smem:$0x0];
	_ =	sdelay $0x2  }
0x30: {  	s31 =	sshll.u32 s1, $0xD;
	s1 =	sshrl.u32 s1, $0x2  }
0x31: {  	s3 =	sand.u32 $0x4000, s31;
	s1 =	sadd.s32 s1, s30  }
0x32: {  	s0 =	sor.u32 s3, s0;
	s1 =	sshll.u32 s1, $0x11  }
0x33: {  	s0 =	sor.u32 s1, s0  }
0x34: {  	s0 =	sadd.s32 $0x8F2B, s0  }
0x35: {  	[sflag:s0] =	ssyncadd.remote.s32 $0x1  }
0x36: {  	_ =	sfence.sel $0xFFFF  }
0x37: {  	[dreg:$0x0] =	wrdreg $0xFFFFFFFF;
	(pc) =	sbr.abs _section_cstart, $3  }
0x38: {  	[dreg:$0x1] =	wrdreg $0xFFFFFFFF  }
0x39: {  	_ =	task.clear_ibuf [dreg:s7], $0x2FFFF;
	_ =	strace $0x9FFFFFFF  }
0x3a: {  	(tm) =	ssettm $0x7FFFFFFF  }
0x3b: {  	_ =	shalt  }
tec
execute0_lowered:
.L_overlay_start_1:
0x0: {  	(tag) =	ssettag $0x1  }
0x1: {  	s0 =	srdreg.scid  }
0x2: {  	s1 =	sshll.u32 s0, $0x4  }
0x3: {  	s0 =	stileid.u32;
	s1 =	sand.u32 $0x10, s1  }
0x4: {  	s6 =	rddreg [dreg:$0x0];
	s1 =	sor.u32 s0, s1  }
0x5: {  	s5 =	rddreg [dreg:$0x1];
	s2 =	sshll.u32 s1, $0x7  }
0x6: {  	s7 =	simm.s32 $0x2;
	s8 =	simm.s32 $0x0;
	s1 =	ssub.s32 $0x1000, s2  }
0x7: {  	s12 =	simm.s32 $0x0;
	s11 =	simm.s32 $0x0;
	s3 =	sand.u32 $0xF80, s1  }
0x8: {  	s9 =	simm.s32 $0x0;
	p0 =	sne.s32 s3, $0x0;
	s3 =	simm.s32 $0x1  }
.Ltmp0:
0x9: {  	s4 =	sshrl.u32 s1, $0xC;
	s3 =	simm.s32 @!p0 $0x0;
	(pc) =	sbr.rel .LBB1_1-.Ltmp0, $4  }
0xa: {  	s10 =	simm.s32 $0x0;
	s1 =	rddreg [dreg:$0x2];
	s4 =	sadd.s32 s3, s4  }
0xb: {  	_ =	strace $0x80000047;
	s3 =	simm.s32 $0x1;
	s4 =	smul.u32 $0x64, s4  }
0xc: {  	s5 =	sadd.s32 $0x600, s5;
	s6 =	sadd.s32 s6, s2;
	[sflag:s3] =	ssyncpa.u1 $0x0  }
0xd: {  	p0 =	por $0x0, $0x0;
	[sflag:s7] =	ssyncpa.u1 $0x0;
	s7 =	sor.u32 $0x1, s4  }
.LBB1_4:
0xe: {  	v5 =	vld [tilespmem:s16+$0xFFFFFFD0];
	[tilespmem:s15+$0x2040 ss:$0x81] =	vst.msk $0xffff, v1  }
0xf: {  	v58 =	vld [tilespmem:s16+$0xFFFFFFE0];
	[tilespmem:s15+$0x2850 ss:$0x81] =	vst.msk $0xffff, v2  }
0x10: {  	s17 =	sshra.s32 s17, $0x2;
	v59 =	vld [tilespmem:s16+$0xFFFFFFF0];
	[tilespmem:s15+$0x3060 ss:$0x81] =	vst.msk $0xffff, v3  }
0x11: {  	v60 =	vld [tilespmem:s16+$0x0];
	[tilespmem:s15+$0x0 ss:$0x81] =	vst.msk $0xffff, v0;
	s14 =	sadd.s32 s17, s14  }
0x12: {  	v61 =	vld [tilespmem:s16+$0x10];
	[tilespmem:s14+$0x3870 ss:$0x81] =	vst.msk $0xffff, v4  }
0x13: {  	v62 =	vld [tilespmem:s16+$0x20];
	[tilespmem:s14+$0x810 ss:$0x81] =	vst.msk $0xffff, v5  }
0x14: {  	v63 =	vld [tilespmem:s16+$0xFFFFFFC0];
	[tilespmem:s14+$0x1020 ss:$0x81] =	vst.msk $0xffff, v58  }
0x15: {  	[tilespmem:s14+$0x1830 ss:$0x81] =	vst.msk $0xffff, v59  }
0x16: {  	[tilespmem:s14+$0x2040 ss:$0x81] =	vst.msk $0xffff, v60  }
0x17: {  	s12 =	sshll.u32 s12, $0x4;
	s11 =	sshll.u32 s11, $0x10;
	[tilespmem:s14+$0x2850 ss:$0x81] =	vst.msk $0xffff, v61  }
0x18: {  	s12 =	sand.u32 $0xF800, s12;
	s11 =	sadd.s32 s5, s11;
	[tilespmem:s14+$0x3060 ss:$0x81] =	vst.msk $0xffff, v62  }
0x19: {  	s11 =	sadd.s32 s12, s11;
	[tilespmem:s14+$0x0 ss:$0x81] =	vst.msk $0xffff, v63  }
0x1a: {  	[hbm4b:s11+s8] =	stream.linear.scatter [tilespmem:s13], [sflag:$0x2], $0x4000, $0x20;
	[tilespmem:$0x10100] =	vst v63  }
.LBB1_5:
0x1b: {  	s13 =	sadd.s32 $0x1, s9  }
0x1c: {  	p2 =	sgt.s32 s13, $0x63  }
0x1d: {  	s13 =	simm.s32 @p2 $0x0;
	p2 =	sne.s32 s10, s7  }
.Ltmp1:
0x1e: {  	p1 =	slt.u32 s10, $0x2;
	(pc) =	sbr.rel @!p2 .LBB1_6-.Ltmp1, $4  }
0x1f: {  	s12 =	simm.s32 @!p1 $0x2  }
0x20: {  	s14 =	sadd.s32 $0x1, s10;
	s11 =	smov.u32 s9;
	_ =	swait.ge @!p1 [sflag:s12], $0x4000  }
0x21: {  	p0 =	por !p0, !p0;
	s10 =	smov.u32 s14;
	[sflag:s12] =	ssyncset.done @!p1 $0x0  }
0x22: {  	s9 =	smov.u32 s13;
	[sflag:s12] =	ssyncadd.s32 @!p1 $0xFFFFC000;
	s12 =	smov.u32 s2  }
.LBB1_1:
0x23: {  	p1 =	sge.u32 s10, s4  }
0x24: {  	s31 =	sadd.s32 $0xFFFFFFFF, s10;
	s13 =	sxor.u32 @!p1 $0xFFFFFFFF, s10  }
0x25: {  	s14 =	sshll.u32 @!p1 s9, $0x10;
	s15 =	simm.s32 @!p1 $0x400;
	s13 =	sshll.u32 @!p1 s13, $0xE  }
0x26: {  	s16 =	simm.s32 @!p1 $0x8000;
	s14 =	sadd.s32 @!p1 s14, s6;
	s13 =	sand.u32 @!p1 $0x4000, s13  }
0x27: {  	[tilespmem:s13], [sflag:$0x1] =	stream.strided.gather @!p1 [hbm4b:s14+s15], $0x4000, s16, s15, $0x38;
	[tilespmem:$0x10100] =	vst v63  }
0x28: {  	p1 =	sge.u32 s31, s4  }
.Ltmp2:
0x29: {  	_ = 	snop;
	(pc) =	sbr.rel @p1 .LBB1_5-.Ltmp2, $1  }
0x2a: {  	_ =	sdelay $0x3  }
0x2b: {  	s13 =	simm.s32 $0x1  }
0x2c: {  	_ =	swait.ge [sflag:s3], $0x4000;
	s13 =	simm.s32 @!p0 $0x0  }
0x2d: {  	[sflag:s3] =	ssyncset.done $0x0;
	s14 =	sshll.u32 s13, $0xE  }
0x2e: {  	[sflag:s3] =	ssyncadd.s32 $0xFFFFC000;
	s16 =	sor.u32 $0x40, s14  }
0x2f: {  	s13 =	smul.u32 $0x10200, s13;
	v0 =	vld [tilespmem:s16+$0x30]  }
0x30: {  	v3 =	vld [tilespmem:s16+$0xFFFFFFD0]  }
0x31: {  	s13 =	sshrl.u32 s13, $0x2;
	v4 =	vld [tilespmem:s16+$0xFFFFFFE0]  }
0x32: {  	v5 =	vld [tilespmem:s16+$0xFFFFFFF0];
	s14 =	sor.u32 $0x8000, s13  }
0x33: {  	s31 =	sand.u32 $0x1, s10;
	v1 =	vld [tilespmem:s16+$0x0];
	s15 =	sadd.s32 $0x0, s14  }
0x34: {  	v2 =	vld [tilespmem:s16+$0x10];
	s13 =	smul.u32 $0x10200, s31;
	[tilespmem:s15+$0x3870 ss:$0x81] =	vst.msk $0xffff, v0  }
0x35: {  	[tilespmem:s15+$0x810 ss:$0x81] =	vst.msk $0xffff, v3;
	v3 =	vld [tilespmem:s16+$0x20]  }
0x36: {  	s13 =	sshrl.u32 s13, $0x2;
	v0 =	vld [tilespmem:s16+$0xFFFFFFC0];
	[tilespmem:s15+$0x1020 ss:$0x81] =	vst.msk $0xffff, v4;
	s16 =	sadd.s32 $0x80, s16  }
0x37: {  	s17 =	simm.s32 $0x4;
	s18 =	simm.s32 $0x8;
	s13 =	sor.u32 $0x8000, s13;
	[tilespmem:s15+$0x1830 ss:$0x81] =	vst.msk $0xffff, v5;
	v4 =	vld [tilespmem:s16+$0x30]  }
.LBB1_3:
0x38: {  	p1 =	sne.s32 s18, $0x1FC;
	v5 =	vld [tilespmem:s16+$0xFFFFFFD0];
	[tilespmem:s15+$0x2040 ss:$0x81] =	vst.msk $0xffff, v1  }
0x39: {  	v6 =	vld [tilespmem:s16+$0xFFFFFFE0];
	[tilespmem:s15+$0x2850 ss:$0x81] =	vst.msk $0xffff, v2  }
0x3a: {  	s19 =	sshra.s32 s17, $0x2;
	s17 =	smov.u32 s18;
	v7 =	vld [tilespmem:s16+$0xFFFFFFF0];
	[tilespmem:s15+$0x3060 ss:$0x81] =	vst.msk $0xffff, v3  }
.Ltmp3:
0x3b: {  	v1 =	vld [tilespmem:s16+$0x0];
	[tilespmem:s15+$0x0 ss:$0x81] =	vst.msk $0xffff, v0;
	s15 =	sadd.s32 s19, s14;
	(pc) =	sbr.rel @p1 .LBB1_3-.Ltmp3, $4  }
0x3c: {  	v2 =	vld [tilespmem:s16+$0x10];
	[tilespmem:s15+$0x3870 ss:$0x81] =	vst.msk $0xffff, v4  }
0x3d: {  	[tilespmem:s15+$0x810 ss:$0x81] =	vst.msk $0xffff, v5;
	v3 =	vld [tilespmem:s16+$0x20]  }
0x3e: {  	v0 =	vld [tilespmem:s16+$0xFFFFFFC0];
	[tilespmem:s15+$0x1020 ss:$0x81] =	vst.msk $0xffff, v6;
	s16 =	sadd.s32 $0x80, s16  }
0x3f: {  	s18 =	sadd.s32 $0x4, s18;
	v4 =	vld [tilespmem:s16+$0x30];
	[tilespmem:s15+$0x1830 ss:$0x81] =	vst.msk $0xffff, v7  }
.Ltmp4:
0x40: {  	_ = 	snop;
	(pc) =	sbr.rel .LBB1_4-.Ltmp4, $1  }
0x41: {  	_ =	sdelay $0x3  }
.LBB1_6:
0x42: {  	_ =	sfence.sel $0x180000  }
0x43: {  	s2 =	simm.s32 $0x1;
	[bflag:$0x0] =	sbarrier.arrive $0xFFFF  }
0x44: {  	s31 =	simm.s32 $0x2;
	[sflag:s2] =	ssyncpa.u1 $0x1  }
0x45: {  	[sflag:s31] =	ssyncpa.u1 $0x1  }
0x46: {  	p0 =	sne.s32 s0, $0x0;
	_ =	strace $0x90000047  }
0x47: {  	s0 =	sadd.s32 @!p0 $0x100000, s1;
	[bflag:$0x2] =	sbarrier.arrive $0xFFFF  }
0x48: {  	[sflag:s0] =	ssyncadd.tile.s32 @!p0 $0x1;
	_ =	shalt  }
.Lfunc_end1:
_tile_overlayer_lowered:
.L_overlay_start_2:
0x49: {  	(tag) =	ssettag $0x2  }
0x4a: {  	s0 =	rddreg [dreg:$0x0];
	s2 =	stileid.u32  }
0x4b: {  	s1 =	rddreg [dreg:$0x1];
	p0 =	sne.s32 s2, $0x0  }
0x4c: {  	s3 =	rddreg [dreg:$0x2];
	[bflag:$0x3] =	sbarrier.arrive $0xFFFF;
	s2 =	simm.s32 @!p0 $0x1C01  }
0x4d: {  	[timem:s3], [sflag:s2] =	dma.local @!p0 [hbm:s0], s1  }
0x4e: {  	s0 =	simm.s32 @!p0 $0x1  }
0x4f: {  	_ =	swait.ge @!p0 [sflag:s0], s1  }
0x50: {  	s1 =	ssub.s32 @!p0 $0x0, s1;
	[sflag:s0] =	ssyncset.done @!p0 $0x0  }
0x51: {  	[sflag:s0] =	ssyncadd.s32 @!p0 s1  }
0x52: {  	[bflag:$0x3] =	sbarrier.arrive $0xFFFF  }
0x53: {  	_ =	shalt  }

</sc_bundles>
